<compile_context>
chip_gen: v7x
topology: tpu7x:2x2x1
jax: 0.10.2.dev20260603
libtpu: 0.0.44.dev20260713+nightly
codegen_flags: <defaults>
</compile_context>

<pallas_src>
import jax
import jax.numpy as jnp
from jax import lax
from jax.experimental import pallas as pl
from jax.experimental.pallas import tpu as pltpu
from jax.experimental.pallas import tpu_sc as plsc

_NUM_CORES = 2
_NUM_SUBCORES = 16
_GCHUNK = 64
_GROUP = 2
_NSLOT = 5
_GROWS = _GCHUNK * _GROUP


def _sc_gather(W, idx_flat, n, D):
    mesh = plsc.VectorSubcoreMesh(core_axis_name="c", subcore_axis_name="s")
    nw = _NUM_CORES * _NUM_SUBCORES
    per_w = n // nw
    groups = per_w // _GROWS
    iters = groups // _NSLOT

    @pl.kernel(
        out_type=jax.ShapeDtypeStruct((n, D), W.dtype),
        mesh=mesh,
        scratch_types=[
            pltpu.VMEM((per_w,), jnp.int32),
            pltpu.VMEM((_NSLOT, _GROWS, D), W.dtype),
            pltpu.SemaphoreType.DMA((_NSLOT, _GROUP)),
            pltpu.SemaphoreType.DMA((_NSLOT,)),
            pltpu.SemaphoreType.DMA,
        ],
    )
    def gather_kernel(w_hbm, i_hbm, o_hbm, idx_v, buf, gsem, wsem, isem):
        wid = lax.axis_index("s") * _NUM_CORES + lax.axis_index("c")
        base = wid * per_w
        pltpu.async_copy(i_hbm.at[pl.ds(base, per_w)], idx_v, isem).wait()

        def gather_group(g, s):
            for j in range(_GROUP):
                src = w_hbm.at[idx_v.at[pl.ds(g * _GROWS + j * _GCHUNK, _GCHUNK)]]
                dst = buf.at[s, pl.ds(j * _GCHUNK, _GCHUNK)]
                pltpu.make_async_copy(src, dst, gsem.at[s, j]).start()

        def wait_group(g, s):
            for j in range(_GROUP):
                src = w_hbm.at[idx_v.at[pl.ds(g * _GROWS + j * _GCHUNK, _GCHUNK)]]
                dst = buf.at[s, pl.ds(j * _GCHUNK, _GCHUNK)]
                pltpu.make_async_copy(src, dst, gsem.at[s, j]).wait()

        def write_group(g, s):
            dst = o_hbm.at[pl.ds(base + g * _GROWS, _GROWS)]
            pltpu.make_async_copy(buf.at[s], dst, wsem.at[s]).start()

        def wait_write(g, s):
            dst = o_hbm.at[pl.ds(base + g * _GROWS, _GROWS)]
            pltpu.make_async_copy(buf.at[s], dst, wsem.at[s]).wait()

        for s in range(_NSLOT):
            gather_group(jnp.int32(s), s)

        @pl.loop(0, iters - 1)
        def _(k):
            g0 = k * _NSLOT
            for s in range(_NSLOT):
                wait_group(g0 + s, s)
                write_group(g0 + s, s)
            for s in range(_NSLOT):
                wait_write(g0 + s, s)
                gather_group(g0 + _NSLOT + s, s)

        gl = jnp.int32((iters - 1) * _NSLOT)
        for s in range(_NSLOT):
            wait_group(gl + s, s)
            write_group(gl + s, s)
        for s in range(_NSLOT):
            wait_write(gl + s, s)

    return gather_kernel(W, idx_flat)


def kernel(x, W):
    B, L = x.shape
    V, D = W.shape
    n = B * L
    idx_flat = x.reshape(n).astype(jnp.int32)
    out = _sc_gather(W, idx_flat, n, D)
    return out.reshape(B, L, D)

# --- scband reference (transcript-rebuilt; emitter-appended) ---
"""Pipeline reference for scband-word-rep-18124761989376 (READ-ONLY COPY).

The authoritative reference and input builder live on the scoring server;
editing this copy changes nothing except your own understanding.
"""

import jax, jax.numpy as jnp
import numpy as np

VOCAB = 100002
EMBED_DIM = 128
BATCH = 1024
MAX_LEN = 200
FEAT_VOCAB = 1000
FEAT_DIM = int(FEAT_VOCAB ** 0.7)  # 125


def setup_inputs(seed: int = 0) -> dict:
    key = jax.random.key(seed)
    k1, k2 = jax.random.split(key)
    x = jax.random.randint(k1, (BATCH, MAX_LEN), 0, VOCAB, dtype=jnp.int64 if jax.config.jax_enable_x64 else jnp.int32)
    W = jax.random.normal(k2, (VOCAB, EMBED_DIM), dtype=jnp.float32) * 0.02
    W = W.at[0].set(0.0)  # padding_idx=0 row is zeros
    return {"x": x, "W": W}


def reference(x, W):
    # features = [self.embed(x)]  -> single embedding lookup
    feats = jnp.take(W, x, axis=0)  # [B, L, D]
    # torch.cat(features, dim=2) over a single-element list is identity
    # self.embed_drop (nn.Dropout) is identity in eval mode
    return feats

if __name__ == "__main__":
    import jax
    _d = setup_inputs()
    print(jax.jit(kernel)(*tuple(_d.values())))

</pallas_src>

<mosaic_0001>
#map = affine_map<(d0, d1) -> (0, 0)>
#map1 = affine_map<(d0, d1) -> (0)>
module attributes {stable_mosaic.version = 14 : i64} {
  func.func @gather_kernel(%arg0: i32, %arg1: i32, %arg2: memref<100002x128xf32, #tpu.memory_space<hbm>>, %arg3: memref<204800xi32, #tpu.memory_space<hbm>>, %arg4: memref<204800x128xf32, #tpu.memory_space<hbm>>, %arg5: memref<6400xi32, #tpu.memory_space<vmem>>, %arg6: memref<5x128x128xf32, #tpu.memory_space<vmem>>, %arg7: memref<5x2x!tpu.dma_semaphore, #tpu.memory_space<semaphore_mem>>, %arg8: memref<5x!tpu.dma_semaphore, #tpu.memory_space<semaphore_mem>>, %arg9: memref<!tpu.dma_semaphore, #tpu.memory_space<semaphore_mem>>) attributes {dimension_semantics = [#tpu.dimension_semantics<core_parallel>, #tpu.dimension_semantics<subcore_parallel>], iteration_bounds = array<i64: 2, 16>, scalar_prefetch = 0 : i64, scratch_operands = 5 : i64, tpu.core_type = #tpu.core_type<sc_vector_subcore>, window_params = [{transform_indices = #map}, {transform_indices = #map1}, {transform_indices = #map}]} {
    %mul3A = arith.constant 2 : i32
    %mul3A_0 = arith.muli %arg1, %mul3A : i32
    %add3A = arith.addi %mul3A_0, %arg0 : i32
    %mul3A_1 = arith.constant 6400 : i32
    %mul3A_2 = arith.muli %add3A, %mul3A_1 : i32
    %dma_start3A = tpu.memref_slice %arg3[%mul3A_2] : memref<204800xi32, #tpu.memory_space<hbm>> -> memref<6400xi32, #tpu.memory_space<hbm>>
    %dma_start3A_3 = tpu.memref_slice %arg3[%mul3A_2] : memref<204800xi32, #tpu.memory_space<hbm>> -> memref<6400xi32, #tpu.memory_space<hbm>>
    tpu.enqueue_dma source(%dma_start3A_3 : memref<6400xi32, #tpu.memory_space<hbm>>) target(%arg5 : memref<6400xi32, #tpu.memory_space<vmem>>) target_semaphore(%arg9 : memref<!tpu.dma_semaphore, #tpu.memory_space<semaphore_mem>>)
    %dma_wait3A = tpu.memref_slice %arg3[%mul3A_2] : memref<204800xi32, #tpu.memory_space<hbm>> -> memref<6400xi32, #tpu.memory_space<hbm>>
    %dma_wait3A_4 = tpu.memref_slice %arg3[%mul3A_2] : memref<204800xi32, #tpu.memory_space<hbm>> -> memref<6400xi32, #tpu.memory_space<hbm>>
    tpu.wait_dma2 semaphore(%arg9 : memref<!tpu.dma_semaphore, #tpu.memory_space<semaphore_mem>>) src(%dma_wait3A_4 : memref<6400xi32, #tpu.memory_space<hbm>>) dst(%arg5 : memref<6400xi32, #tpu.memory_space<vmem>>)
    %mul3A_5 = arith.constant 0 : i32
    %mul3A_6 = arith.constant 128 : i32
    %mul3A_7 = arith.muli %mul3A_5, %mul3A_6 : i32
    %add3A_8 = arith.constant 0 : i32
    %add3A_9 = arith.addi %mul3A_7, %add3A_8 : i32
    %dma_start3A_10 = arith.constant 0 : i32
    %dma_start3A_11 = arith.constant 0 : i32
    %dma_start3A_12 = arith.constant 0 : i32
    %dma_start3A_13 = arith.constant 0 : i32
    %dma_start3A_14 = arith.constant 0 : i32
    %dma_start3A_15 = tpu.memref_slice %arg6[%dma_start3A_10, %dma_start3A_13, %dma_start3A_14] : memref<5x128x128xf32, #tpu.memory_space<vmem>> -> memref<1x64x128xf32, #tpu.memory_space<vmem>>
    %dma_start3A_16 = tpu.memref_squeeze %dma_start3A_15 : memref<1x64x128xf32, #tpu.memory_space<vmem>> -> memref<64x128xf32, #tpu.memory_space<vmem>>
    %dma_start3A_17 = tpu.memref_slice %arg5[%add3A_9] : memref<6400xi32, #tpu.memory_space<vmem>> -> memref<64xi32, #tpu.memory_space<vmem>>
    %dma_start3A_18 = arith.constant 0 : i32
    %dma_start3A_19 = arith.constant 0 : i32
    %dma_start3A_20 = tpu.memref_slice %arg2[%dma_start3A_18, %dma_start3A_19] : memref<100002x128xf32, #tpu.memory_space<hbm>> -> memref<100002x128xf32, #tpu.memory_space<hbm>>
    %dma_start3A_21 = tpu.memref_slice %arg7[%dma_start3A_11, %dma_start3A_12] : memref<5x2x!tpu.dma_semaphore, #tpu.memory_space<semaphore_mem>> -> memref<1x1x!tpu.dma_semaphore, #tpu.memory_space<semaphore_mem>>
    %dma_start3A_22 = tpu.memref_squeeze %dma_start3A_21 : memref<1x1x!tpu.dma_semaphore, #tpu.memory_space<semaphore_mem>> -> memref<!tpu.dma_semaphore, #tpu.memory_space<semaphore_mem>>
    tpu.enqueue_indirect_dma source(%dma_start3A_20 : memref<100002x128xf32, #tpu.memory_space<hbm>>) target(%dma_start3A_16 : memref<64x128xf32, #tpu.memory_space<vmem>>) offsets(%dma_start3A_17 : memref<64xi32, #tpu.memory_space<vmem>>) semaphore(%dma_start3A_22 : memref<!tpu.dma_semaphore, #tpu.memory_space<semaphore_mem>>)
    %mul3A_23 = arith.constant 0 : i32
    %mul3A_24 = arith.constant 128 : i32
    %mul3A_25 = arith.muli %mul3A_23, %mul3A_24 : i32
    %add3A_26 = arith.constant 64 : i32
    %add3A_27 = arith.addi %mul3A_25, %add3A_26 : i32
    %dma_start3A_28 = arith.constant 0 : i32
    %dma_start3A_29 = arith.constant 0 : i32
    %dma_start3A_30 = arith.constant 1 : i32
    %dma_start3A_31 = arith.constant 64 : i32
    %dma_start3A_32 = arith.constant 0 : i32
    %dma_start3A_33 = tpu.memref_slice %arg6[%dma_start3A_28, %dma_start3A_31, %dma_start3A_32] : memref<5x128x128xf32, #tpu.memory_space<vmem>> -> memref<1x64x128xf32, #tpu.memory_space<vmem>>
    %dma_start3A_34 = tpu.memref_squeeze %dma_start3A_33 : memref<1x64x128xf32, #tpu.memory_space<vmem>> -> memref<64x128xf32, #tpu.memory_space<vmem>>
    %dma_start3A_35 = tpu.memref_slice %arg5[%add3A_27] : memref<6400xi32, #tpu.memory_space<vmem>> -> memref<64xi32, #tpu.memory_space<vmem>>
    %dma_start3A_36 = arith.constant 0 : i32
    %dma_start3A_37 = arith.constant 0 : i32
    %dma_start3A_38 = tpu.memref_slice %arg2[%dma_start3A_36, %dma_start3A_37] : memref<100002x128xf32, #tpu.memory_space<hbm>> -> memref<100002x128xf32, #tpu.memory_space<hbm>>
    %dma_start3A_39 = tpu.memref_slice %arg7[%dma_start3A_29, %dma_start3A_30] : memref<5x2x!tpu.dma_semaphore, #tpu.memory_space<semaphore_mem>> -> memref<1x1x!tpu.dma_semaphore, #tpu.memory_space<semaphore_mem>>
    %dma_start3A_40 = tpu.memref_squeeze %dma_start3A_39 : memref<1x1x!tpu.dma_semaphore, #tpu.memory_space<semaphore_mem>> -> memref<!tpu.dma_semaphore, #tpu.memory_space<semaphore_mem>>
    tpu.enqueue_indirect_dma source(%dma_start3A_38 : memref<100002x128xf32, #tpu.memory_space<hbm>>) target(%dma_start3A_34 : memref<64x128xf32, #tpu.memory_space<vmem>>) offsets(%dma_start3A_35 : memref<64xi32, #tpu.memory_space<vmem>>) semaphore(%dma_start3A_40 : memref<!tpu.dma_semaphore, #tpu.memory_space<semaphore_mem>>)
    %mul3A_41 = arith.constant 1 : i32
    %mul3A_42 = arith.constant 128 : i32
    %mul3A_43 = arith.muli %mul3A_41, %mul3A_42 : i32
    %add3A_44 = arith.constant 0 : i32
    %add3A_45 = arith.addi %mul3A_43, %add3A_44 : i32
    %dma_start3A_46 = arith.constant 1 : i32
    %dma_start3A_47 = arith.constant 1 : i32
    %dma_start3A_48 = arith.constant 0 : i32
    %dma_start3A_49 = arith.constant 0 : i32
    %dma_start3A_50 = arith.constant 0 : i32
    %dma_start3A_51 = tpu.memref_slice %arg6[%dma_start3A_46, %dma_start3A_49, %dma_start3A_50] : memref<5x128x128xf32, #tpu.memory_space<vmem>> -> memref<1x64x128xf32, #tpu.memory_space<vmem>>
    %dma_start3A_52 = tpu.memref_squeeze %dma_start3A_51 : memref<1x64x128xf32, #tpu.memory_space<vmem>> -> memref<64x128xf32, #tpu.memory_space<vmem>>
    %dma_start3A_53 = tpu.memref_slice %arg5[%add3A_45] : memref<6400xi32, #tpu.memory_space<vmem>> -> memref<64xi32, #tpu.memory_space<vmem>>
    %dma_start3A_54 = arith.constant 0 : i32
    %dma_start3A_55 = arith.constant 0 : i32
    %dma_start3A_56 = tpu.memref_slice %arg2[%dma_start3A_54, %dma_start3A_55] : memref<100002x128xf32, #tpu.memory_space<hbm>> -> memref<100002x128xf32, #tpu.memory_space<hbm>>
    %dma_start3A_57 = tpu.memref_slice %arg7[%dma_start3A_47, %dma_start3A_48] : memref<5x2x!tpu.dma_semaphore, #tpu.memory_space<semaphore_mem>> -> memref<1x1x!tpu.dma_semaphore, #tpu.memory_space<semaphore_mem>>
    %dma_start3A_58 = tpu.memref_squeeze %dma_start3A_57 : memref<1x1x!tpu.dma_semaphore, #tpu.memory_space<semaphore_mem>> -> memref<!tpu.dma_semaphore, #tpu.memory_space<semaphore_mem>>
    tpu.enqueue_indirect_dma source(%dma_start3A_56 : memref<100002x128xf32, #tpu.memory_space<hbm>>) target(%dma_start3A_52 : memref<64x128xf32, #tpu.memory_space<vmem>>) offsets(%dma_start3A_53 : memref<64xi32, #tpu.memory_space<vmem>>) semaphore(%dma_start3A_58 : memref<!tpu.dma_semaphore, #tpu.memory_space<semaphore_mem>>)
    %mul3A_59 = arith.constant 1 : i32
    %mul3A_60 = arith.constant 128 : i32
    %mul3A_61 = arith.muli %mul3A_59, %mul3A_60 : i32
    %add3A_62 = arith.constant 64 : i32
    %add3A_63 = arith.addi %mul3A_61, %add3A_62 : i32
    %dma_start3A_64 = arith.constant 1 : i32
    %dma_start3A_65 = arith.constant 1 : i32
    %dma_start3A_66 = arith.constant 1 : i32
    %dma_start3A_67 = arith.constant 64 : i32
    %dma_start3A_68 = arith.constant 0 : i32
    %dma_start3A_69 = tpu.memref_slice %arg6[%dma_start3A_64, %dma_start3A_67, %dma_start3A_68] : memref<5x128x128xf32, #tpu.memory_space<vmem>> -> memref<1x64x128xf32, #tpu.memory_space<vmem>>
    %dma_start3A_70 = tpu.memref_squeeze %dma_start3A_69 : memref<1x64x128xf32, #tpu.memory_space<vmem>> -> memref<64x128xf32, #tpu.memory_space<vmem>>
    %dma_start3A_71 = tpu.memref_slice %arg5[%add3A_63] : memref<6400xi32, #tpu.memory_space<vmem>> -> memref<64xi32, #tpu.memory_space<vmem>>
    %dma_start3A_72 = arith.constant 0 : i32
    %dma_start3A_73 = arith.constant 0 : i32
    %dma_start3A_74 = tpu.memref_slice %arg2[%dma_start3A_72, %dma_start3A_73] : memref<100002x128xf32, #tpu.memory_space<hbm>> -> memref<100002x128xf32, #tpu.memory_space<hbm>>
    %dma_start3A_75 = tpu.memref_slice %arg7[%dma_start3A_65, %dma_start3A_66] : memref<5x2x!tpu.dma_semaphore, #tpu.memory_space<semaphore_mem>> -> memref<1x1x!tpu.dma_semaphore, #tpu.memory_space<semaphore_mem>>
    %dma_start3A_76 = tpu.memref_squeeze %dma_start3A_75 : memref<1x1x!tpu.dma_semaphore, #tpu.memory_space<semaphore_mem>> -> memref<!tpu.dma_semaphore, #tpu.memory_space<semaphore_mem>>
    tpu.enqueue_indirect_dma source(%dma_start3A_74 : memref<100002x128xf32, #tpu.memory_space<hbm>>) target(%dma_start3A_70 : memref<64x128xf32, #tpu.memory_space<vmem>>) offsets(%dma_start3A_71 : memref<64xi32, #tpu.memory_space<vmem>>) semaphore(%dma_start3A_76 : memref<!tpu.dma_semaphore, #tpu.memory_space<semaphore_mem>>)
    %mul3A_77 = arith.constant 2 : i32
    %mul3A_78 = arith.constant 128 : i32
    %mul3A_79 = arith.muli %mul3A_77, %mul3A_78 : i32
    %add3A_80 = arith.constant 0 : i32
    %add3A_81 = arith.addi %mul3A_79, %add3A_80 : i32
    %dma_start3A_82 = arith.constant 2 : i32
    %dma_start3A_83 = arith.constant 2 : i32
    %dma_start3A_84 = arith.constant 0 : i32
    %dma_start3A_85 = arith.constant 0 : i32
    %dma_start3A_86 = arith.constant 0 : i32
    %dma_start3A_87 = tpu.memref_slice %arg6[%dma_start3A_82, %dma_start3A_85, %dma_start3A_86] : memref<5x128x128xf32, #tpu.memory_space<vmem>> -> memref<1x64x128xf32, #tpu.memory_space<vmem>>
    %dma_start3A_88 = tpu.memref_squeeze %dma_start3A_87 : memref<1x64x128xf32, #tpu.memory_space<vmem>> -> memref<64x128xf32, #tpu.memory_space<vmem>>
    %dma_start3A_89 = tpu.memref_slice %arg5[%add3A_81] : memref<6400xi32, #tpu.memory_space<vmem>> -> memref<64xi32, #tpu.memory_space<vmem>>
    %dma_start3A_90 = arith.constant 0 : i32
    %dma_start3A_91 = arith.constant 0 : i32
    %dma_start3A_92 = tpu.memref_slice %arg2[%dma_start3A_90, %dma_start3A_91] : memref<100002x128xf32, #tpu.memory_space<hbm>> -> memref<100002x128xf32, #tpu.memory_space<hbm>>
    %dma_start3A_93 = tpu.memref_slice %arg7[%dma_start3A_83, %dma_start3A_84] : memref<5x2x!tpu.dma_semaphore, #tpu.memory_space<semaphore_mem>> -> memref<1x1x!tpu.dma_semaphore, #tpu.memory_space<semaphore_mem>>
    %dma_start3A_94 = tpu.memref_squeeze %dma_start3A_93 : memref<1x1x!tpu.dma_semaphore, #tpu.memory_space<semaphore_mem>> -> memref<!tpu.dma_semaphore, #tpu.memory_space<semaphore_mem>>
    tpu.enqueue_indirect_dma source(%dma_start3A_92 : memref<100002x128xf32, #tpu.memory_space<hbm>>) target(%dma_start3A_88 : memref<64x128xf32, #tpu.memory_space<vmem>>) offsets(%dma_start3A_89 : memref<64xi32, #tpu.memory_space<vmem>>) semaphore(%dma_start3A_94 : memref<!tpu.dma_semaphore, #tpu.memory_space<semaphore_mem>>)
    %mul3A_95 = arith.constant 2 : i32
    %mul3A_96 = arith.constant 128 : i32
    %mul3A_97 = arith.muli %mul3A_95, %mul3A_96 : i32
    %add3A_98 = arith.constant 64 : i32
    %add3A_99 = arith.addi %mul3A_97, %add3A_98 : i32
    %dma_start3A_100 = arith.constant 2 : i32
    %dma_start3A_101 = arith.constant 2 : i32
    %dma_start3A_102 = arith.constant 1 : i32
    %dma_start3A_103 = arith.constant 64 : i32
    %dma_start3A_104 = arith.constant 0 : i32
    %dma_start3A_105 = tpu.memref_slice %arg6[%dma_start3A_100, %dma_start3A_103, %dma_start3A_104] : memref<5x128x128xf32, #tpu.memory_space<vmem>> -> memref<1x64x128xf32, #tpu.memory_space<vmem>>
    %dma_start3A_106 = tpu.memref_squeeze %dma_start3A_105 : memref<1x64x128xf32, #tpu.memory_space<vmem>> -> memref<64x128xf32, #tpu.memory_space<vmem>>
    %dma_start3A_107 = tpu.memref_slice %arg5[%add3A_99] : memref<6400xi32, #tpu.memory_space<vmem>> -> memref<64xi32, #tpu.memory_space<vmem>>
    %dma_start3A_108 = arith.constant 0 : i32
    %dma_start3A_109 = arith.constant 0 : i32
    %dma_start3A_110 = tpu.memref_slice %arg2[%dma_start3A_108, %dma_start3A_109] : memref<100002x128xf32, #tpu.memory_space<hbm>> -> memref<100002x128xf32, #tpu.memory_space<hbm>>
    %dma_start3A_111 = tpu.memref_slice %arg7[%dma_start3A_101, %dma_start3A_102] : memref<5x2x!tpu.dma_semaphore, #tpu.memory_space<semaphore_mem>> -> memref<1x1x!tpu.dma_semaphore, #tpu.memory_space<semaphore_mem>>
    %dma_start3A_112 = tpu.memref_squeeze %dma_start3A_111 : memref<1x1x!tpu.dma_semaphore, #tpu.memory_space<semaphore_mem>> -> memref<!tpu.dma_semaphore, #tpu.memory_space<semaphore_mem>>
    tpu.enqueue_indirect_dma source(%dma_start3A_110 : memref<100002x128xf32, #tpu.memory_space<hbm>>) target(%dma_start3A_106 : memref<64x128xf32, #tpu.memory_space<vmem>>) offsets(%dma_start3A_107 : memref<64xi32, #tpu.memory_space<vmem>>) semaphore(%dma_start3A_112 : memref<!tpu.dma_semaphore, #tpu.memory_space<semaphore_mem>>)
    %mul3A_113 = arith.constant 3 : i32
    %mul3A_114 = arith.constant 128 : i32
    %mul3A_115 = arith.muli %mul3A_113, %mul3A_114 : i32
    %add3A_116 = arith.constant 0 : i32
    %add3A_117 = arith.addi %mul3A_115, %add3A_116 : i32
    %dma_start3A_118 = arith.constant 3 : i32
    %dma_start3A_119 = arith.constant 3 : i32
    %dma_start3A_120 = arith.constant 0 : i32
    %dma_start3A_121 = arith.constant 0 : i32
    %dma_start3A_122 = arith.constant 0 : i32
    %dma_start3A_123 = tpu.memref_slice %arg6[%dma_start3A_118, %dma_start3A_121, %dma_start3A_122] : memref<5x128x128xf32, #tpu.memory_space<vmem>> -> memref<1x64x128xf32, #tpu.memory_space<vmem>>
    %dma_start3A_124 = tpu.memref_squeeze %dma_start3A_123 : memref<1x64x128xf32, #tpu.memory_space<vmem>> -> memref<64x128xf32, #tpu.memory_space<vmem>>
    %dma_start3A_125 = tpu.memref_slice %arg5[%add3A_117] : memref<6400xi32, #tpu.memory_space<vmem>> -> memref<64xi32, #tpu.memory_space<vmem>>
    %dma_start3A_126 = arith.constant 0 : i32
    %dma_start3A_127 = arith.constant 0 : i32
    %dma_start3A_128 = tpu.memref_slice %arg2[%dma_start3A_126, %dma_start3A_127] : memref<100002x128xf32, #tpu.memory_space<hbm>> -> memref<100002x128xf32, #tpu.memory_space<hbm>>
    %dma_start3A_129 = tpu.memref_slice %arg7[%dma_start3A_119, %dma_start3A_120] : memref<5x2x!tpu.dma_semaphore, #tpu.memory_space<semaphore_mem>> -> memref<1x1x!tpu.dma_semaphore, #tpu.memory_space<semaphore_mem>>
    %dma_start3A_130 = tpu.memref_squeeze %dma_start3A_129 : memref<1x1x!tpu.dma_semaphore, #tpu.memory_space<semaphore_mem>> -> memref<!tpu.dma_semaphore, #tpu.memory_space<semaphore_mem>>
    tpu.enqueue_indirect_dma source(%dma_start3A_128 : memref<100002x128xf32, #tpu.memory_space<hbm>>) target(%dma_start3A_124 : memref<64x128xf32, #tpu.memory_space<vmem>>) offsets(%dma_start3A_125 : memref<64xi32, #tpu.memory_space<vmem>>) semaphore(%dma_start3A_130 : memref<!tpu.dma_semaphore, #tpu.memory_space<semaphore_mem>>)
    %mul3A_131 = arith.constant 3 : i32
    %mul3A_132 = arith.constant 128 : i32
    %mul3A_133 = arith.muli %mul3A_131, %mul3A_132 : i32
    %add3A_134 = arith.constant 64 : i32
    %add3A_135 = arith.addi %mul3A_133, %add3A_134 : i32
    %dma_start3A_136 = arith.constant 3 : i32
    %dma_start3A_137 = arith.constant 3 : i32
    %dma_start3A_138 = arith.constant 1 : i32
    %dma_start3A_139 = arith.constant 64 : i32
    %dma_start3A_140 = arith.constant 0 : i32
    %dma_start3A_141 = tpu.memref_slice %arg6[%dma_start3A_136, %dma_start3A_139, %dma_start3A_140] : memref<5x128x128xf32, #tpu.memory_space<vmem>> -> memref<1x64x128xf32, #tpu.memory_space<vmem>>
    %dma_start3A_142 = tpu.memref_squeeze %dma_start3A_141 : memref<1x64x128xf32, #tpu.memory_space<vmem>> -> memref<64x128xf32, #tpu.memory_space<vmem>>
    %dma_start3A_143 = tpu.memref_slice %arg5[%add3A_135] : memref<6400xi32, #tpu.memory_space<vmem>> -> memref<64xi32, #tpu.memory_space<vmem>>
    %dma_start3A_144 = arith.constant 0 : i32
    %dma_start3A_145 = arith.constant 0 : i32
    %dma_start3A_146 = tpu.memref_slice %arg2[%dma_start3A_144, %dma_start3A_145] : memref<100002x128xf32, #tpu.memory_space<hbm>> -> memref<100002x128xf32, #tpu.memory_space<hbm>>
    %dma_start3A_147 = tpu.memref_slice %arg7[%dma_start3A_137, %dma_start3A_138] : memref<5x2x!tpu.dma_semaphore, #tpu.memory_space<semaphore_mem>> -> memref<1x1x!tpu.dma_semaphore, #tpu.memory_space<semaphore_mem>>
    %dma_start3A_148 = tpu.memref_squeeze %dma_start3A_147 : memref<1x1x!tpu.dma_semaphore, #tpu.memory_space<semaphore_mem>> -> memref<!tpu.dma_semaphore, #tpu.memory_space<semaphore_mem>>
    tpu.enqueue_indirect_dma source(%dma_start3A_146 : memref<100002x128xf32, #tpu.memory_space<hbm>>) target(%dma_start3A_142 : memref<64x128xf32, #tpu.memory_space<vmem>>) offsets(%dma_start3A_143 : memref<64xi32, #tpu.memory_space<vmem>>) semaphore(%dma_start3A_148 : memref<!tpu.dma_semaphore, #tpu.memory_space<semaphore_mem>>)
    %mul3A_149 = arith.constant 4 : i32
    %mul3A_150 = arith.constant 128 : i32
    %mul3A_151 = arith.muli %mul3A_149, %mul3A_150 : i32
    %add3A_152 = arith.constant 0 : i32
    %add3A_153 = arith.addi %mul3A_151, %add3A_152 : i32
    %dma_start3A_154 = arith.constant 4 : i32
    %dma_start3A_155 = arith.constant 4 : i32
    %dma_start3A_156 = arith.constant 0 : i32
    %dma_start3A_157 = arith.constant 0 : i32
    %dma_start3A_158 = arith.constant 0 : i32
    %dma_start3A_159 = tpu.memref_slice %arg6[%dma_start3A_154, %dma_start3A_157, %dma_start3A_158] : memref<5x128x128xf32, #tpu.memory_space<vmem>> -> memref<1x64x128xf32, #tpu.memory_space<vmem>>
    %dma_start3A_160 = tpu.memref_squeeze %dma_start3A_159 : memref<1x64x128xf32, #tpu.memory_space<vmem>> -> memref<64x128xf32, #tpu.memory_space<vmem>>
    %dma_start3A_161 = tpu.memref_slice %arg5[%add3A_153] : memref<6400xi32, #tpu.memory_space<vmem>> -> memref<64xi32, #tpu.memory_space<vmem>>
    %dma_start3A_162 = arith.constant 0 : i32
    %dma_start3A_163 = arith.constant 0 : i32
    %dma_start3A_164 = tpu.memref_slice %arg2[%dma_start3A_162, %dma_start3A_163] : memref<100002x128xf32, #tpu.memory_space<hbm>> -> memref<100002x128xf32, #tpu.memory_space<hbm>>
    %dma_start3A_165 = tpu.memref_slice %arg7[%dma_start3A_155, %dma_start3A_156] : memref<5x2x!tpu.dma_semaphore, #tpu.memory_space<semaphore_mem>> -> memref<1x1x!tpu.dma_semaphore, #tpu.memory_space<semaphore_mem>>
    %dma_start3A_166 = tpu.memref_squeeze %dma_start3A_165 : memref<1x1x!tpu.dma_semaphore, #tpu.memory_space<semaphore_mem>> -> memref<!tpu.dma_semaphore, #tpu.memory_space<semaphore_mem>>
    tpu.enqueue_indirect_dma source(%dma_start3A_164 : memref<100002x128xf32, #tpu.memory_space<hbm>>) target(%dma_start3A_160 : memref<64x128xf32, #tpu.memory_space<vmem>>) offsets(%dma_start3A_161 : memref<64xi32, #tpu.memory_space<vmem>>) semaphore(%dma_start3A_166 : memref<!tpu.dma_semaphore, #tpu.memory_space<semaphore_mem>>)
    %mul3A_167 = arith.constant 4 : i32
    %mul3A_168 = arith.constant 128 : i32
    %mul3A_169 = arith.muli %mul3A_167, %mul3A_168 : i32
    %add3A_170 = arith.constant 64 : i32
    %add3A_171 = arith.addi %mul3A_169, %add3A_170 : i32
    %dma_start3A_172 = arith.constant 4 : i32
    %dma_start3A_173 = arith.constant 4 : i32
    %dma_start3A_174 = arith.constant 1 : i32
    %dma_start3A_175 = arith.constant 64 : i32
    %dma_start3A_176 = arith.constant 0 : i32
    %dma_start3A_177 = tpu.memref_slice %arg6[%dma_start3A_172, %dma_start3A_175, %dma_start3A_176] : memref<5x128x128xf32, #tpu.memory_space<vmem>> -> memref<1x64x128xf32, #tpu.memory_space<vmem>>
    %dma_start3A_178 = tpu.memref_squeeze %dma_start3A_177 : memref<1x64x128xf32, #tpu.memory_space<vmem>> -> memref<64x128xf32, #tpu.memory_space<vmem>>
    %dma_start3A_179 = tpu.memref_slice %arg5[%add3A_171] : memref<6400xi32, #tpu.memory_space<vmem>> -> memref<64xi32, #tpu.memory_space<vmem>>
    %dma_start3A_180 = arith.constant 0 : i32
    %dma_start3A_181 = arith.constant 0 : i32
    %dma_start3A_182 = tpu.memref_slice %arg2[%dma_start3A_180, %dma_start3A_181] : memref<100002x128xf32, #tpu.memory_space<hbm>> -> memref<100002x128xf32, #tpu.memory_space<hbm>>
    %dma_start3A_183 = tpu.memref_slice %arg7[%dma_start3A_173, %dma_start3A_174] : memref<5x2x!tpu.dma_semaphore, #tpu.memory_space<semaphore_mem>> -> memref<1x1x!tpu.dma_semaphore, #tpu.memory_space<semaphore_mem>>
    %dma_start3A_184 = tpu.memref_squeeze %dma_start3A_183 : memref<1x1x!tpu.dma_semaphore, #tpu.memory_space<semaphore_mem>> -> memref<!tpu.dma_semaphore, #tpu.memory_space<semaphore_mem>>
    tpu.enqueue_indirect_dma source(%dma_start3A_182 : memref<100002x128xf32, #tpu.memory_space<hbm>>) target(%dma_start3A_178 : memref<64x128xf32, #tpu.memory_space<vmem>>) offsets(%dma_start3A_179 : memref<64xi32, #tpu.memory_space<vmem>>) semaphore(%dma_start3A_184 : memref<!tpu.dma_semaphore, #tpu.memory_space<semaphore_mem>>)
    %scan3A = arith.constant 0 : i32
    %scan3A_185 = arith.constant 9 : i32
    %scan3A_186 = arith.addi %scan3A, %scan3A_185 : i32
    %scan3A_187 = arith.constant 1 : i32
    scf.for %scan3A_594 = %scan3A to %scan3A_186 step %scan3A_187  : i32 {
      %mul3A_595 = arith.constant 1 : i32
      %mul3A_596 = arith.muli %scan3A_594, %mul3A_595 : i32
      %add3A_597 = arith.constant 0 : i32
      %add3A_598 = arith.addi %add3A_597, %mul3A_596 : i32
      %mul3A_599 = arith.constant 5 : i32
      %mul3A_600 = arith.muli %add3A_598, %mul3A_599 : i32
      %add3A_601 = arith.constant 0 : i32
      %add3A_602 = arith.addi %mul3A_600, %add3A_601 : i32
      %mul3A_603 = arith.constant 128 : i32
      %mul3A_604 = arith.muli %add3A_602, %mul3A_603 : i32
      %add3A_605 = arith.constant 0 : i32
      %add3A_606 = arith.addi %mul3A_604, %add3A_605 : i32
      %dma_wait3A_607 = arith.constant 0 : i32
      %dma_wait3A_608 = arith.constant 0 : i32
      %dma_wait3A_609 = arith.constant 0 : i32
      %dma_wait3A_610 = arith.constant 0 : i32
      %dma_wait3A_611 = arith.constant 0 : i32
      %dma_wait3A_612 = tpu.memref_slice %arg6[%dma_wait3A_607, %dma_wait3A_610, %dma_wait3A_611] : memref<5x128x128xf32, #tpu.memory_space<vmem>> -> memref<1x64x128xf32, #tpu.memory_space<vmem>>
      %dma_wait3A_613 = tpu.memref_squeeze %dma_wait3A_612 : memref<1x64x128xf32, #tpu.memory_space<vmem>> -> memref<64x128xf32, #tpu.memory_space<vmem>>
      %dma_wait3A_614 = tpu.memref_slice %arg5[%add3A_606] : memref<6400xi32, #tpu.memory_space<vmem>> -> memref<64xi32, #tpu.memory_space<vmem>>
      %dma_wait3A_615 = arith.constant 0 : i32
      %dma_wait3A_616 = arith.constant 0 : i32
      %dma_wait3A_617 = tpu.memref_slice %arg2[%dma_wait3A_615, %dma_wait3A_616] : memref<100002x128xf32, #tpu.memory_space<hbm>> -> memref<100002x128xf32, #tpu.memory_space<hbm>>
      %dma_wait3A_618 = tpu.memref_slice %arg7[%dma_wait3A_608, %dma_wait3A_609] : memref<5x2x!tpu.dma_semaphore, #tpu.memory_space<semaphore_mem>> -> memref<1x1x!tpu.dma_semaphore, #tpu.memory_space<semaphore_mem>>
      %dma_wait3A_619 = tpu.memref_squeeze %dma_wait3A_618 : memref<1x1x!tpu.dma_semaphore, #tpu.memory_space<semaphore_mem>> -> memref<!tpu.dma_semaphore, #tpu.memory_space<semaphore_mem>>
      tpu.wait_indirect_dma semaphore(%dma_wait3A_619 : memref<!tpu.dma_semaphore, #tpu.memory_space<semaphore_mem>>) src(%dma_wait3A_617 : memref<100002x128xf32, #tpu.memory_space<hbm>>) dst(%dma_wait3A_613 : memref<64x128xf32, #tpu.memory_space<vmem>>)
      %mul3A_620 = arith.constant 128 : i32
      %mul3A_621 = arith.muli %add3A_602, %mul3A_620 : i32
      %add3A_622 = arith.constant 64 : i32
      %add3A_623 = arith.addi %mul3A_621, %add3A_622 : i32
      %dma_wait3A_624 = arith.constant 0 : i32
      %dma_wait3A_625 = arith.constant 0 : i32
      %dma_wait3A_626 = arith.constant 1 : i32
      %dma_wait3A_627 = arith.constant 64 : i32
      %dma_wait3A_628 = arith.constant 0 : i32
      %dma_wait3A_629 = tpu.memref_slice %arg6[%dma_wait3A_624, %dma_wait3A_627, %dma_wait3A_628] : memref<5x128x128xf32, #tpu.memory_space<vmem>> -> memref<1x64x128xf32, #tpu.memory_space<vmem>>
      %dma_wait3A_630 = tpu.memref_squeeze %dma_wait3A_629 : memref<1x64x128xf32, #tpu.memory_space<vmem>> -> memref<64x128xf32, #tpu.memory_space<vmem>>
      %dma_wait3A_631 = tpu.memref_slice %arg5[%add3A_623] : memref<6400xi32, #tpu.memory_space<vmem>> -> memref<64xi32, #tpu.memory_space<vmem>>
      %dma_wait3A_632 = arith.constant 0 : i32
      %dma_wait3A_633 = arith.constant 0 : i32
      %dma_wait3A_634 = tpu.memref_slice %arg2[%dma_wait3A_632, %dma_wait3A_633] : memref<100002x128xf32, #tpu.memory_space<hbm>> -> memref<100002x128xf32, #tpu.memory_space<hbm>>
      %dma_wait3A_635 = tpu.memref_slice %arg7[%dma_wait3A_625, %dma_wait3A_626] : memref<5x2x!tpu.dma_semaphore, #tpu.memory_space<semaphore_mem>> -> memref<1x1x!tpu.dma_semaphore, #tpu.memory_space<semaphore_mem>>
      %dma_wait3A_636 = tpu.memref_squeeze %dma_wait3A_635 : memref<1x1x!tpu.dma_semaphore, #tpu.memory_space<semaphore_mem>> -> memref<!tpu.dma_semaphore, #tpu.memory_space<semaphore_mem>>
      tpu.wait_indirect_dma semaphore(%dma_wait3A_636 : memref<!tpu.dma_semaphore, #tpu.memory_space<semaphore_mem>>) src(%dma_wait3A_634 : memref<100002x128xf32, #tpu.memory_space<hbm>>) dst(%dma_wait3A_630 : memref<64x128xf32, #tpu.memory_space<vmem>>)
      %add3A_637 = arith.constant 0 : i32
      %add3A_638 = arith.addi %mul3A_600, %add3A_637 : i32
      %mul3A_639 = arith.constant 128 : i32
      %mul3A_640 = arith.muli %add3A_638, %mul3A_639 : i32
      %add3A_641 = arith.addi %mul3A_2, %mul3A_640 : i32
      %dma_start3A_642 = arith.constant 0 : i32
      %dma_start3A_643 = arith.constant 0 : i32
      %dma_start3A_644 = arith.constant 0 : i32
      %dma_start3A_645 = arith.constant 0 : i32
      %dma_start3A_646 = tpu.memref_slice %arg6[%dma_start3A_642, %dma_start3A_644, %dma_start3A_645] : memref<5x128x128xf32, #tpu.memory_space<vmem>> -> memref<1x128x128xf32, #tpu.memory_space<vmem>>
      %dma_start3A_647 = tpu.memref_squeeze %dma_start3A_646 : memref<1x128x128xf32, #tpu.memory_space<vmem>> -> memref<128x128xf32, #tpu.memory_space<vmem>>
      %dma_start3A_648 = arith.constant 0 : i32
      %dma_start3A_649 = tpu.memref_slice %arg4[%add3A_641, %dma_start3A_648] : memref<204800x128xf32, #tpu.memory_space<hbm>> -> memref<128x128xf32, #tpu.memory_space<hbm>>
      %dma_start3A_650 = tpu.memref_slice %arg8[%dma_start3A_643] : memref<5x!tpu.dma_semaphore, #tpu.memory_space<semaphore_mem>> -> memref<1x!tpu.dma_semaphore, #tpu.memory_space<semaphore_mem>>
      %dma_start3A_651 = tpu.memref_squeeze %dma_start3A_650 : memref<1x!tpu.dma_semaphore, #tpu.memory_space<semaphore_mem>> -> memref<!tpu.dma_semaphore, #tpu.memory_space<semaphore_mem>>
      %dma_start3A_652 = arith.constant 0 : i32
      %dma_start3A_653 = tpu.memref_slice %arg4[%add3A_641, %dma_start3A_652] : memref<204800x128xf32, #tpu.memory_space<hbm>> -> memref<128x128xf32, #tpu.memory_space<hbm>>
      %dma_start3A_654 = arith.constant 0 : i32
      %dma_start3A_655 = arith.constant 0 : i32
      %dma_start3A_656 = tpu.memref_slice %arg6[%dma_start3A_642, %dma_start3A_654, %dma_start3A_655] : memref<5x128x128xf32, #tpu.memory_space<vmem>> -> memref<1x128x128xf32, #tpu.memory_space<vmem>>
      %dma_start3A_657 = tpu.memref_squeeze %dma_start3A_656 : memref<1x128x128xf32, #tpu.memory_space<vmem>> -> memref<128x128xf32, #tpu.memory_space<vmem>>
      tpu.enqueue_dma source(%dma_start3A_657 : memref<128x128xf32, #tpu.memory_space<vmem>>) target(%dma_start3A_653 : memref<128x128xf32, #tpu.memory_space<hbm>>) target_semaphore(%dma_start3A_651 : memref<!tpu.dma_semaphore, #tpu.memory_space<semaphore_mem>>)
      %add3A_658 = arith.constant 1 : i32
      %add3A_659 = arith.addi %mul3A_600, %add3A_658 : i32
      %mul3A_660 = arith.constant 128 : i32
      %mul3A_661 = arith.muli %add3A_659, %mul3A_660 : i32
      %add3A_662 = arith.constant 0 : i32
      %add3A_663 = arith.addi %mul3A_661, %add3A_662 : i32
      %dma_wait3A_664 = arith.constant 1 : i32
      %dma_wait3A_665 = arith.constant 1 : i32
      %dma_wait3A_666 = arith.constant 0 : i32
      %dma_wait3A_667 = arith.constant 0 : i32
      %dma_wait3A_668 = arith.constant 0 : i32
      %dma_wait3A_669 = tpu.memref_slice %arg6[%dma_wait3A_664, %dma_wait3A_667, %dma_wait3A_668] : memref<5x128x128xf32, #tpu.memory_space<vmem>> -> memref<1x64x128xf32, #tpu.memory_space<vmem>>
      %dma_wait3A_670 = tpu.memref_squeeze %dma_wait3A_669 : memref<1x64x128xf32, #tpu.memory_space<vmem>> -> memref<64x128xf32, #tpu.memory_space<vmem>>
      %dma_wait3A_671 = tpu.memref_slice %arg5[%add3A_663] : memref<6400xi32, #tpu.memory_space<vmem>> -> memref<64xi32, #tpu.memory_space<vmem>>
      %dma_wait3A_672 = arith.constant 0 : i32
      %dma_wait3A_673 = arith.constant 0 : i32
      %dma_wait3A_674 = tpu.memref_slice %arg2[%dma_wait3A_672, %dma_wait3A_673] : memref<100002x128xf32, #tpu.memory_space<hbm>> -> memref<100002x128xf32, #tpu.memory_space<hbm>>
      %dma_wait3A_675 = tpu.memref_slice %arg7[%dma_wait3A_665, %dma_wait3A_666] : memref<5x2x!tpu.dma_semaphore, #tpu.memory_space<semaphore_mem>> -> memref<1x1x!tpu.dma_semaphore, #tpu.memory_space<semaphore_mem>>
      %dma_wait3A_676 = tpu.memref_squeeze %dma_wait3A_675 : memref<1x1x!tpu.dma_semaphore, #tpu.memory_space<semaphore_mem>> -> memref<!tpu.dma_semaphore, #tpu.memory_space<semaphore_mem>>
      tpu.wait_indirect_dma semaphore(%dma_wait3A_676 : memref<!tpu.dma_semaphore, #tpu.memory_space<semaphore_mem>>) src(%dma_wait3A_674 : memref<100002x128xf32, #tpu.memory_space<hbm>>) dst(%dma_wait3A_670 : memref<64x128xf32, #tpu.memory_space<vmem>>)
      %mul3A_677 = arith.constant 128 : i32
      %mul3A_678 = arith.muli %add3A_659, %mul3A_677 : i32
      %add3A_679 = arith.constant 64 : i32
      %add3A_680 = arith.addi %mul3A_678, %add3A_679 : i32
      %dma_wait3A_681 = arith.constant 1 : i32
      %dma_wait3A_682 = arith.constant 1 : i32
      %dma_wait3A_683 = arith.constant 1 : i32
      %dma_wait3A_684 = arith.constant 64 : i32
      %dma_wait3A_685 = arith.constant 0 : i32
      %dma_wait3A_686 = tpu.memref_slice %arg6[%dma_wait3A_681, %dma_wait3A_684, %dma_wait3A_685] : memref<5x128x128xf32, #tpu.memory_space<vmem>> -> memref<1x64x128xf32, #tpu.memory_space<vmem>>
      %dma_wait3A_687 = tpu.memref_squeeze %dma_wait3A_686 : memref<1x64x128xf32, #tpu.memory_space<vmem>> -> memref<64x128xf32, #tpu.memory_space<vmem>>
      %dma_wait3A_688 = tpu.memref_slice %arg5[%add3A_680] : memref<6400xi32, #tpu.memory_space<vmem>> -> memref<64xi32, #tpu.memory_space<vmem>>
      %dma_wait3A_689 = arith.constant 0 : i32
      %dma_wait3A_690 = arith.constant 0 : i32
      %dma_wait3A_691 = tpu.memref_slice %arg2[%dma_wait3A_689, %dma_wait3A_690] : memref<100002x128xf32, #tpu.memory_space<hbm>> -> memref<100002x128xf32, #tpu.memory_space<hbm>>
      %dma_wait3A_692 = tpu.memref_slice %arg7[%dma_wait3A_682, %dma_wait3A_683] : memref<5x2x!tpu.dma_semaphore, #tpu.memory_space<semaphore_mem>> -> memref<1x1x!tpu.dma_semaphore, #tpu.memory_space<semaphore_mem>>
      %dma_wait3A_693 = tpu.memref_squeeze %dma_wait3A_692 : memref<1x1x!tpu.dma_semaphore, #tpu.memory_space<semaphore_mem>> -> memref<!tpu.dma_semaphore, #tpu.memory_space<semaphore_mem>>
      tpu.wait_indirect_dma semaphore(%dma_wait3A_693 : memref<!tpu.dma_semaphore, #tpu.memory_space<semaphore_mem>>) src(%dma_wait3A_691 : memref<100002x128xf32, #tpu.memory_space<hbm>>) dst(%dma_wait3A_687 : memref<64x128xf32, #tpu.memory_space<vmem>>)
      %add3A_694 = arith.constant 1 : i32
      %add3A_695 = arith.addi %mul3A_600, %add3A_694 : i32
      %mul3A_696 = arith.constant 128 : i32
      %mul3A_697 = arith.muli %add3A_695, %mul3A_696 : i32
      %add3A_698 = arith.addi %mul3A_2, %mul3A_697 : i32
      %dma_start3A_699 = arith.constant 1 : i32
      %dma_start3A_700 = arith.constant 1 : i32
      %dma_start3A_701 = arith.constant 0 : i32
      %dma_start3A_702 = arith.constant 0 : i32
      %dma_start3A_703 = tpu.memref_slice %arg6[%dma_start3A_699, %dma_start3A_701, %dma_start3A_702] : memref<5x128x128xf32, #tpu.memory_space<vmem>> -> memref<1x128x128xf32, #tpu.memory_space<vmem>>
      %dma_start3A_704 = tpu.memref_squeeze %dma_start3A_703 : memref<1x128x128xf32, #tpu.memory_space<vmem>> -> memref<128x128xf32, #tpu.memory_space<vmem>>
      %dma_start3A_705 = arith.constant 0 : i32
      %dma_start3A_706 = tpu.memref_slice %arg4[%add3A_698, %dma_start3A_705] : memref<204800x128xf32, #tpu.memory_space<hbm>> -> memref<128x128xf32, #tpu.memory_space<hbm>>
      %dma_start3A_707 = tpu.memref_slice %arg8[%dma_start3A_700] : memref<5x!tpu.dma_semaphore, #tpu.memory_space<semaphore_mem>> -> memref<1x!tpu.dma_semaphore, #tpu.memory_space<semaphore_mem>>
      %dma_start3A_708 = tpu.memref_squeeze %dma_start3A_707 : memref<1x!tpu.dma_semaphore, #tpu.memory_space<semaphore_mem>> -> memref<!tpu.dma_semaphore, #tpu.memory_space<semaphore_mem>>
      %dma_start3A_709 = arith.constant 0 : i32
      %dma_start3A_710 = tpu.memref_slice %arg4[%add3A_698, %dma_start3A_709] : memref<204800x128xf32, #tpu.memory_space<hbm>> -> memref<128x128xf32, #tpu.memory_space<hbm>>
      %dma_start3A_711 = arith.constant 0 : i32
      %dma_start3A_712 = arith.constant 0 : i32
      %dma_start3A_713 = tpu.memref_slice %arg6[%dma_start3A_699, %dma_start3A_711, %dma_start3A_712] : memref<5x128x128xf32, #tpu.memory_space<vmem>> -> memref<1x128x128xf32, #tpu.memory_space<vmem>>
      %dma_start3A_714 = tpu.memref_squeeze %dma_start3A_713 : memref<1x128x128xf32, #tpu.memory_space<vmem>> -> memref<128x128xf32, #tpu.memory_space<vmem>>
      tpu.enqueue_dma source(%dma_start3A_714 : memref<128x128xf32, #tpu.memory_space<vmem>>) target(%dma_start3A_710 : memref<128x128xf32, #tpu.memory_space<hbm>>) target_semaphore(%dma_start3A_708 : memref<!tpu.dma_semaphore, #tpu.memory_space<semaphore_mem>>)
      %add3A_715 = arith.constant 2 : i32
      %add3A_716 = arith.addi %mul3A_600, %add3A_715 : i32
      %mul3A_717 = arith.constant 128 : i32
      %mul3A_718 = arith.muli %add3A_716, %mul3A_717 : i32
      %add3A_719 = arith.constant 0 : i32
      %add3A_720 = arith.addi %mul3A_718, %add3A_719 : i32
      %dma_wait3A_721 = arith.constant 2 : i32
      %dma_wait3A_722 = arith.constant 2 : i32
      %dma_wait3A_723 = arith.constant 0 : i32
      %dma_wait3A_724 = arith.constant 0 : i32
      %dma_wait3A_725 = arith.constant 0 : i32
      %dma_wait3A_726 = tpu.memref_slice %arg6[%dma_wait3A_721, %dma_wait3A_724, %dma_wait3A_725] : memref<5x128x128xf32, #tpu.memory_space<vmem>> -> memref<1x64x128xf32, #tpu.memory_space<vmem>>
      %dma_wait3A_727 = tpu.memref_squeeze %dma_wait3A_726 : memref<1x64x128xf32, #tpu.memory_space<vmem>> -> memref<64x128xf32, #tpu.memory_space<vmem>>
      %dma_wait3A_728 = tpu.memref_slice %arg5[%add3A_720] : memref<6400xi32, #tpu.memory_space<vmem>> -> memref<64xi32, #tpu.memory_space<vmem>>
      %dma_wait3A_729 = arith.constant 0 : i32
      %dma_wait3A_730 = arith.constant 0 : i32
      %dma_wait3A_731 = tpu.memref_slice %arg2[%dma_wait3A_729, %dma_wait3A_730] : memref<100002x128xf32, #tpu.memory_space<hbm>> -> memref<100002x128xf32, #tpu.memory_space<hbm>>
      %dma_wait3A_732 = tpu.memref_slice %arg7[%dma_wait3A_722, %dma_wait3A_723] : memref<5x2x!tpu.dma_semaphore, #tpu.memory_space<semaphore_mem>> -> memref<1x1x!tpu.dma_semaphore, #tpu.memory_space<semaphore_mem>>
      %dma_wait3A_733 = tpu.memref_squeeze %dma_wait3A_732 : memref<1x1x!tpu.dma_semaphore, #tpu.memory_space<semaphore_mem>> -> memref<!tpu.dma_semaphore, #tpu.memory_space<semaphore_mem>>
      tpu.wait_indirect_dma semaphore(%dma_wait3A_733 : memref<!tpu.dma_semaphore, #tpu.memory_space<semaphore_mem>>) src(%dma_wait3A_731 : memref<100002x128xf32, #tpu.memory_space<hbm>>) dst(%dma_wait3A_727 : memref<64x128xf32, #tpu.memory_space<vmem>>)
      %mul3A_734 = arith.constant 128 : i32
      %mul3A_735 = arith.muli %add3A_716, %mul3A_734 : i32
      %add3A_736 = arith.constant 64 : i32
      %add3A_737 = arith.addi %mul3A_735, %add3A_736 : i32
      %dma_wait3A_738 = arith.constant 2 : i32
      %dma_wait3A_739 = arith.constant 2 : i32
      %dma_wait3A_740 = arith.constant 1 : i32
      %dma_wait3A_741 = arith.constant 64 : i32
      %dma_wait3A_742 = arith.constant 0 : i32
      %dma_wait3A_743 = tpu.memref_slice %arg6[%dma_wait3A_738, %dma_wait3A_741, %dma_wait3A_742] : memref<5x128x128xf32, #tpu.memory_space<vmem>> -> memref<1x64x128xf32, #tpu.memory_space<vmem>>
      %dma_wait3A_744 = tpu.memref_squeeze %dma_wait3A_743 : memref<1x64x128xf32, #tpu.memory_space<vmem>> -> memref<64x128xf32, #tpu.memory_space<vmem>>
      %dma_wait3A_745 = tpu.memref_slice %arg5[%add3A_737] : memref<6400xi32, #tpu.memory_space<vmem>> -> memref<64xi32, #tpu.memory_space<vmem>>
      %dma_wait3A_746 = arith.constant 0 : i32
      %dma_wait3A_747 = arith.constant 0 : i32
      %dma_wait3A_748 = tpu.memref_slice %arg2[%dma_wait3A_746, %dma_wait3A_747] : memref<100002x128xf32, #tpu.memory_space<hbm>> -> memref<100002x128xf32, #tpu.memory_space<hbm>>
      %dma_wait3A_749 = tpu.memref_slice %arg7[%dma_wait3A_739, %dma_wait3A_740] : memref<5x2x!tpu.dma_semaphore, #tpu.memory_space<semaphore_mem>> -> memref<1x1x!tpu.dma_semaphore, #tpu.memory_space<semaphore_mem>>
      %dma_wait3A_750 = tpu.memref_squeeze %dma_wait3A_749 : memref<1x1x!tpu.dma_semaphore, #tpu.memory_space<semaphore_mem>> -> memref<!tpu.dma_semaphore, #tpu.memory_space<semaphore_mem>>
      tpu.wait_indirect_dma semaphore(%dma_wait3A_750 : memref<!tpu.dma_semaphore, #tpu.memory_space<semaphore_mem>>) src(%dma_wait3A_748 : memref<100002x128xf32, #tpu.memory_space<hbm>>) dst(%dma_wait3A_744 : memref<64x128xf32, #tpu.memory_space<vmem>>)
      %add3A_751 = arith.constant 2 : i32
      %add3A_752 = arith.addi %mul3A_600, %add3A_751 : i32
      %mul3A_753 = arith.constant 128 : i32
      %mul3A_754 = arith.muli %add3A_752, %mul3A_753 : i32
      %add3A_755 = arith.addi %mul3A_2, %mul3A_754 : i32
      %dma_start3A_756 = arith.constant 2 : i32
      %dma_start3A_757 = arith.constant 2 : i32
      %dma_start3A_758 = arith.constant 0 : i32
      %dma_start3A_759 = arith.constant 0 : i32
      %dma_start3A_760 = tpu.memref_slice %arg6[%dma_start3A_756, %dma_start3A_758, %dma_start3A_759] : memref<5x128x128xf32, #tpu.memory_space<vmem>> -> memref<1x128x128xf32, #tpu.memory_space<vmem>>
      %dma_start3A_761 = tpu.memref_squeeze %dma_start3A_760 : memref<1x128x128xf32, #tpu.memory_space<vmem>> -> memref<128x128xf32, #tpu.memory_space<vmem>>
      %dma_start3A_762 = arith.constant 0 : i32
      %dma_start3A_763 = tpu.memref_slice %arg4[%add3A_755, %dma_start3A_762] : memref<204800x128xf32, #tpu.memory_space<hbm>> -> memref<128x128xf32, #tpu.memory_space<hbm>>
      %dma_start3A_764 = tpu.memref_slice %arg8[%dma_start3A_757] : memref<5x!tpu.dma_semaphore, #tpu.memory_space<semaphore_mem>> -> memref<1x!tpu.dma_semaphore, #tpu.memory_space<semaphore_mem>>
      %dma_start3A_765 = tpu.memref_squeeze %dma_start3A_764 : memref<1x!tpu.dma_semaphore, #tpu.memory_space<semaphore_mem>> -> memref<!tpu.dma_semaphore, #tpu.memory_space<semaphore_mem>>
      %dma_start3A_766 = arith.constant 0 : i32
      %dma_start3A_767 = tpu.memref_slice %arg4[%add3A_755, %dma_start3A_766] : memref<204800x128xf32, #tpu.memory_space<hbm>> -> memref<128x128xf32, #tpu.memory_space<hbm>>
      %dma_start3A_768 = arith.constant 0 : i32
      %dma_start3A_769 = arith.constant 0 : i32
      %dma_start3A_770 = tpu.memref_slice %arg6[%dma_start3A_756, %dma_start3A_768, %dma_start3A_769] : memref<5x128x128xf32, #tpu.memory_space<vmem>> -> memref<1x128x128xf32, #tpu.memory_space<vmem>>
      %dma_start3A_771 = tpu.memref_squeeze %dma_start3A_770 : memref<1x128x128xf32, #tpu.memory_space<vmem>> -> memref<128x128xf32, #tpu.memory_space<vmem>>
      tpu.enqueue_dma source(%dma_start3A_771 : memref<128x128xf32, #tpu.memory_space<vmem>>) target(%dma_start3A_767 : memref<128x128xf32, #tpu.memory_space<hbm>>) target_semaphore(%dma_start3A_765 : memref<!tpu.dma_semaphore, #tpu.memory_space<semaphore_mem>>)
      %add3A_772 = arith.constant 3 : i32
      %add3A_773 = arith.addi %mul3A_600, %add3A_772 : i32
      %mul3A_774 = arith.constant 128 : i32
      %mul3A_775 = arith.muli %add3A_773, %mul3A_774 : i32
      %add3A_776 = arith.constant 0 : i32
      %add3A_777 = arith.addi %mul3A_775, %add3A_776 : i32
      %dma_wait3A_778 = arith.constant 3 : i32
      %dma_wait3A_779 = arith.constant 3 : i32
      %dma_wait3A_780 = arith.constant 0 : i32
      %dma_wait3A_781 = arith.constant 0 : i32
      %dma_wait3A_782 = arith.constant 0 : i32
      %dma_wait3A_783 = tpu.memref_slice %arg6[%dma_wait3A_778, %dma_wait3A_781, %dma_wait3A_782] : memref<5x128x128xf32, #tpu.memory_space<vmem>> -> memref<1x64x128xf32, #tpu.memory_space<vmem>>
      %dma_wait3A_784 = tpu.memref_squeeze %dma_wait3A_783 : memref<1x64x128xf32, #tpu.memory_space<vmem>> -> memref<64x128xf32, #tpu.memory_space<vmem>>
      %dma_wait3A_785 = tpu.memref_slice %arg5[%add3A_777] : memref<6400xi32, #tpu.memory_space<vmem>> -> memref<64xi32, #tpu.memory_space<vmem>>
      %dma_wait3A_786 = arith.constant 0 : i32
      %dma_wait3A_787 = arith.constant 0 : i32
      %dma_wait3A_788 = tpu.memref_slice %arg2[%dma_wait3A_786, %dma_wait3A_787] : memref<100002x128xf32, #tpu.memory_space<hbm>> -> memref<100002x128xf32, #tpu.memory_space<hbm>>
      %dma_wait3A_789 = tpu.memref_slice %arg7[%dma_wait3A_779, %dma_wait3A_780] : memref<5x2x!tpu.dma_semaphore, #tpu.memory_space<semaphore_mem>> -> memref<1x1x!tpu.dma_semaphore, #tpu.memory_space<semaphore_mem>>
      %dma_wait3A_790 = tpu.memref_squeeze %dma_wait3A_789 : memref<1x1x!tpu.dma_semaphore, #tpu.memory_space<semaphore_mem>> -> memref<!tpu.dma_semaphore, #tpu.memory_space<semaphore_mem>>
      tpu.wait_indirect_dma semaphore(%dma_wait3A_790 : memref<!tpu.dma_semaphore, #tpu.memory_space<semaphore_mem>>) src(%dma_wait3A_788 : memref<100002x128xf32, #tpu.memory_space<hbm>>) dst(%dma_wait3A_784 : memref<64x128xf32, #tpu.memory_space<vmem>>)
      %mul3A_791 = arith.constant 128 : i32
      %mul3A_792 = arith.muli %add3A_773, %mul3A_791 : i32
      %add3A_793 = arith.constant 64 : i32
      %add3A_794 = arith.addi %mul3A_792, %add3A_793 : i32
      %dma_wait3A_795 = arith.constant 3 : i32
      %dma_wait3A_796 = arith.constant 3 : i32
      %dma_wait3A_797 = arith.constant 1 : i32
      %dma_wait3A_798 = arith.constant 64 : i32
      %dma_wait3A_799 = arith.constant 0 : i32
      %dma_wait3A_800 = tpu.memref_slice %arg6[%dma_wait3A_795, %dma_wait3A_798, %dma_wait3A_799] : memref<5x128x128xf32, #tpu.memory_space<vmem>> -> memref<1x64x128xf32, #tpu.memory_space<vmem>>
      %dma_wait3A_801 = tpu.memref_squeeze %dma_wait3A_800 : memref<1x64x128xf32, #tpu.memory_space<vmem>> -> memref<64x128xf32, #tpu.memory_space<vmem>>
      %dma_wait3A_802 = tpu.memref_slice %arg5[%add3A_794] : memref<6400xi32, #tpu.memory_space<vmem>> -> memref<64xi32, #tpu.memory_space<vmem>>
      %dma_wait3A_803 = arith.constant 0 : i32
      %dma_wait3A_804 = arith.constant 0 : i32
      %dma_wait3A_805 = tpu.memref_slice %arg2[%dma_wait3A_803, %dma_wait3A_804] : memref<100002x128xf32, #tpu.memory_space<hbm>> -> memref<100002x128xf32, #tpu.memory_space<hbm>>
      %dma_wait3A_806 = tpu.memref_slice %arg7[%dma_wait3A_796, %dma_wait3A_797] : memref<5x2x!tpu.dma_semaphore, #tpu.memory_space<semaphore_mem>> -> memref<1x1x!tpu.dma_semaphore, #tpu.memory_space<semaphore_mem>>
      %dma_wait3A_807 = tpu.memref_squeeze %dma_wait3A_806 : memref<1x1x!tpu.dma_semaphore, #tpu.memory_space<semaphore_mem>> -> memref<!tpu.dma_semaphore, #tpu.memory_space<semaphore_mem>>
      tpu.wait_indirect_dma semaphore(%dma_wait3A_807 : memref<!tpu.dma_semaphore, #tpu.memory_space<semaphore_mem>>) src(%dma_wait3A_805 : memref<100002x128xf32, #tpu.memory_space<hbm>>) dst(%dma_wait3A_801 : memref<64x128xf32, #tpu.memory_space<vmem>>)
      %add3A_808 = arith.constant 3 : i32
      %add3A_809 = arith.addi %mul3A_600, %add3A_808 : i32
      %mul3A_810 = arith.constant 128 : i32
      %mul3A_811 = arith.muli %add3A_809, %mul3A_810 : i32
      %add3A_812 = arith.addi %mul3A_2, %mul3A_811 : i32
      %dma_start3A_813 = arith.constant 3 : i32
      %dma_start3A_814 = arith.constant 3 : i32
      %dma_start3A_815 = arith.constant 0 : i32
      %dma_start3A_816 = arith.constant 0 : i32
      %dma_start3A_817 = tpu.memref_slice %arg6[%dma_start3A_813, %dma_start3A_815, %dma_start3A_816] : memref<5x128x128xf32, #tpu.memory_space<vmem>> -> memref<1x128x128xf32, #tpu.memory_space<vmem>>
      %dma_start3A_818 = tpu.memref_squeeze %dma_start3A_817 : memref<1x128x128xf32, #tpu.memory_space<vmem>> -> memref<128x128xf32, #tpu.memory_space<vmem>>
      %dma_start3A_819 = arith.constant 0 : i32
      %dma_start3A_820 = tpu.memref_slice %arg4[%add3A_812, %dma_start3A_819] : memref<204800x128xf32, #tpu.memory_space<hbm>> -> memref<128x128xf32, #tpu.memory_space<hbm>>
      %dma_start3A_821 = tpu.memref_slice %arg8[%dma_start3A_814] : memref<5x!tpu.dma_semaphore, #tpu.memory_space<semaphore_mem>> -> memref<1x!tpu.dma_semaphore, #tpu.memory_space<semaphore_mem>>
      %dma_start3A_822 = tpu.memref_squeeze %dma_start3A_821 : memref<1x!tpu.dma_semaphore, #tpu.memory_space<semaphore_mem>> -> memref<!tpu.dma_semaphore, #tpu.memory_space<semaphore_mem>>
      %dma_start3A_823 = arith.constant 0 : i32
      %dma_start3A_824 = tpu.memref_slice %arg4[%add3A_812, %dma_start3A_823] : memref<204800x128xf32, #tpu.memory_space<hbm>> -> memref<128x128xf32, #tpu.memory_space<hbm>>
      %dma_start3A_825 = arith.constant 0 : i32
      %dma_start3A_826 = arith.constant 0 : i32
      %dma_start3A_827 = tpu.memref_slice %arg6[%dma_start3A_813, %dma_start3A_825, %dma_start3A_826] : memref<5x128x128xf32, #tpu.memory_space<vmem>> -> memref<1x128x128xf32, #tpu.memory_space<vmem>>
      %dma_start3A_828 = tpu.memref_squeeze %dma_start3A_827 : memref<1x128x128xf32, #tpu.memory_space<vmem>> -> memref<128x128xf32, #tpu.memory_space<vmem>>
      tpu.enqueue_dma source(%dma_start3A_828 : memref<128x128xf32, #tpu.memory_space<vmem>>) target(%dma_start3A_824 : memref<128x128xf32, #tpu.memory_space<hbm>>) target_semaphore(%dma_start3A_822 : memref<!tpu.dma_semaphore, #tpu.memory_space<semaphore_mem>>)
      %add3A_829 = arith.constant 4 : i32
      %add3A_830 = arith.addi %mul3A_600, %add3A_829 : i32
      %mul3A_831 = arith.constant 128 : i32
      %mul3A_832 = arith.muli %add3A_830, %mul3A_831 : i32
      %add3A_833 = arith.constant 0 : i32
      %add3A_834 = arith.addi %mul3A_832, %add3A_833 : i32
      %dma_wait3A_835 = arith.constant 4 : i32
      %dma_wait3A_836 = arith.constant 4 : i32
      %dma_wait3A_837 = arith.constant 0 : i32
      %dma_wait3A_838 = arith.constant 0 : i32
      %dma_wait3A_839 = arith.constant 0 : i32
      %dma_wait3A_840 = tpu.memref_slice %arg6[%dma_wait3A_835, %dma_wait3A_838, %dma_wait3A_839] : memref<5x128x128xf32, #tpu.memory_space<vmem>> -> memref<1x64x128xf32, #tpu.memory_space<vmem>>
      %dma_wait3A_841 = tpu.memref_squeeze %dma_wait3A_840 : memref<1x64x128xf32, #tpu.memory_space<vmem>> -> memref<64x128xf32, #tpu.memory_space<vmem>>
      %dma_wait3A_842 = tpu.memref_slice %arg5[%add3A_834] : memref<6400xi32, #tpu.memory_space<vmem>> -> memref<64xi32, #tpu.memory_space<vmem>>
      %dma_wait3A_843 = arith.constant 0 : i32
      %dma_wait3A_844 = arith.constant 0 : i32
      %dma_wait3A_845 = tpu.memref_slice %arg2[%dma_wait3A_843, %dma_wait3A_844] : memref<100002x128xf32, #tpu.memory_space<hbm>> -> memref<100002x128xf32, #tpu.memory_space<hbm>>
      %dma_wait3A_846 = tpu.memref_slice %arg7[%dma_wait3A_836, %dma_wait3A_837] : memref<5x2x!tpu.dma_semaphore, #tpu.memory_space<semaphore_mem>> -> memref<1x1x!tpu.dma_semaphore, #tpu.memory_space<semaphore_mem>>
      %dma_wait3A_847 = tpu.memref_squeeze %dma_wait3A_846 : memref<1x1x!tpu.dma_semaphore, #tpu.memory_space<semaphore_mem>> -> memref<!tpu.dma_semaphore, #tpu.memory_space<semaphore_mem>>
      tpu.wait_indirect_dma semaphore(%dma_wait3A_847 : memref<!tpu.dma_semaphore, #tpu.memory_space<semaphore_mem>>) src(%dma_wait3A_845 : memref<100002x128xf32, #tpu.memory_space<hbm>>) dst(%dma_wait3A_841 : memref<64x128xf32, #tpu.memory_space<vmem>>)
      %mul3A_848 = arith.constant 128 : i32
      %mul3A_849 = arith.muli %add3A_830, %mul3A_848 : i32
      %add3A_850 = arith.constant 64 : i32
      %add3A_851 = arith.addi %mul3A_849, %add3A_850 : i32
      %dma_wait3A_852 = arith.constant 4 : i32
      %dma_wait3A_853 = arith.constant 4 : i32
      %dma_wait3A_854 = arith.constant 1 : i32
      %dma_wait3A_855 = arith.constant 64 : i32
      %dma_wait3A_856 = arith.constant 0 : i32
      %dma_wait3A_857 = tpu.memref_slice %arg6[%dma_wait3A_852, %dma_wait3A_855, %dma_wait3A_856] : memref<5x128x128xf32, #tpu.memory_space<vmem>> -> memref<1x64x128xf32, #tpu.memory_space<vmem>>
      %dma_wait3A_858 = tpu.memref_squeeze %dma_wait3A_857 : memref<1x64x128xf32, #tpu.memory_space<vmem>> -> memref<64x128xf32, #tpu.memory_space<vmem>>
      %dma_wait3A_859 = tpu.memref_slice %arg5[%add3A_851] : memref<6400xi32, #tpu.memory_space<vmem>> -> memref<64xi32, #tpu.memory_space<vmem>>
      %dma_wait3A_860 = arith.constant 0 : i32
      %dma_wait3A_861 = arith.constant 0 : i32
      %dma_wait3A_862 = tpu.memref_slice %arg2[%dma_wait3A_860, %dma_wait3A_861] : memref<100002x128xf32, #tpu.memory_space<hbm>> -> memref<100002x128xf32, #tpu.memory_space<hbm>>
      %dma_wait3A_863 = tpu.memref_slice %arg7[%dma_wait3A_853, %dma_wait3A_854] : memref<5x2x!tpu.dma_semaphore, #tpu.memory_space<semaphore_mem>> -> memref<1x1x!tpu.dma_semaphore, #tpu.memory_space<semaphore_mem>>
      %dma_wait3A_864 = tpu.memref_squeeze %dma_wait3A_863 : memref<1x1x!tpu.dma_semaphore, #tpu.memory_space<semaphore_mem>> -> memref<!tpu.dma_semaphore, #tpu.memory_space<semaphore_mem>>
      tpu.wait_indirect_dma semaphore(%dma_wait3A_864 : memref<!tpu.dma_semaphore, #tpu.memory_space<semaphore_mem>>) src(%dma_wait3A_862 : memref<100002x128xf32, #tpu.memory_space<hbm>>) dst(%dma_wait3A_858 : memref<64x128xf32, #tpu.memory_space<vmem>>)
      %add3A_865 = arith.constant 4 : i32
      %add3A_866 = arith.addi %mul3A_600, %add3A_865 : i32
      %mul3A_867 = arith.constant 128 : i32
      %mul3A_868 = arith.muli %add3A_866, %mul3A_867 : i32
      %add3A_869 = arith.addi %mul3A_2, %mul3A_868 : i32
      %dma_start3A_870 = arith.constant 4 : i32
      %dma_start3A_871 = arith.constant 4 : i32
      %dma_start3A_872 = arith.constant 0 : i32
      %dma_start3A_873 = arith.constant 0 : i32
      %dma_start3A_874 = tpu.memref_slice %arg6[%dma_start3A_870, %dma_start3A_872, %dma_start3A_873] : memref<5x128x128xf32, #tpu.memory_space<vmem>> -> memref<1x128x128xf32, #tpu.memory_space<vmem>>
      %dma_start3A_875 = tpu.memref_squeeze %dma_start3A_874 : memref<1x128x128xf32, #tpu.memory_space<vmem>> -> memref<128x128xf32, #tpu.memory_space<vmem>>
      %dma_start3A_876 = arith.constant 0 : i32
      %dma_start3A_877 = tpu.memref_slice %arg4[%add3A_869, %dma_start3A_876] : memref<204800x128xf32, #tpu.memory_space<hbm>> -> memref<128x128xf32, #tpu.memory_space<hbm>>
      %dma_start3A_878 = tpu.memref_slice %arg8[%dma_start3A_871] : memref<5x!tpu.dma_semaphore, #tpu.memory_space<semaphore_mem>> -> memref<1x!tpu.dma_semaphore, #tpu.memory_space<semaphore_mem>>
      %dma_start3A_879 = tpu.memref_squeeze %dma_start3A_878 : memref<1x!tpu.dma_semaphore, #tpu.memory_space<semaphore_mem>> -> memref<!tpu.dma_semaphore, #tpu.memory_space<semaphore_mem>>
      %dma_start3A_880 = arith.constant 0 : i32
      %dma_start3A_881 = tpu.memref_slice %arg4[%add3A_869, %dma_start3A_880] : memref<204800x128xf32, #tpu.memory_space<hbm>> -> memref<128x128xf32, #tpu.memory_space<hbm>>
      %dma_start3A_882 = arith.constant 0 : i32
      %dma_start3A_883 = arith.constant 0 : i32
      %dma_start3A_884 = tpu.memref_slice %arg6[%dma_start3A_870, %dma_start3A_882, %dma_start3A_883] : memref<5x128x128xf32, #tpu.memory_space<vmem>> -> memref<1x128x128xf32, #tpu.memory_space<vmem>>
      %dma_start3A_885 = tpu.memref_squeeze %dma_start3A_884 : memref<1x128x128xf32, #tpu.memory_space<vmem>> -> memref<128x128xf32, #tpu.memory_space<vmem>>
      tpu.enqueue_dma source(%dma_start3A_885 : memref<128x128xf32, #tpu.memory_space<vmem>>) target(%dma_start3A_881 : memref<128x128xf32, #tpu.memory_space<hbm>>) target_semaphore(%dma_start3A_879 : memref<!tpu.dma_semaphore, #tpu.memory_space<semaphore_mem>>)
      %add3A_886 = arith.constant 0 : i32
      %add3A_887 = arith.addi %mul3A_600, %add3A_886 : i32
      %mul3A_888 = arith.constant 128 : i32
      %mul3A_889 = arith.muli %add3A_887, %mul3A_888 : i32
      %add3A_890 = arith.addi %mul3A_2, %mul3A_889 : i32
      %dma_wait3A_891 = arith.constant 0 : i32
      %dma_wait3A_892 = arith.constant 0 : i32
      %dma_wait3A_893 = arith.constant 0 : i32
      %dma_wait3A_894 = arith.constant 0 : i32
      %dma_wait3A_895 = tpu.memref_slice %arg6[%dma_wait3A_891, %dma_wait3A_893, %dma_wait3A_894] : memref<5x128x128xf32, #tpu.memory_space<vmem>> -> memref<1x128x128xf32, #tpu.memory_space<vmem>>
      %dma_wait3A_896 = tpu.memref_squeeze %dma_wait3A_895 : memref<1x128x128xf32, #tpu.memory_space<vmem>> -> memref<128x128xf32, #tpu.memory_space<vmem>>
      %dma_wait3A_897 = arith.constant 0 : i32
      %dma_wait3A_898 = tpu.memref_slice %arg4[%add3A_890, %dma_wait3A_897] : memref<204800x128xf32, #tpu.memory_space<hbm>> -> memref<128x128xf32, #tpu.memory_space<hbm>>
      %dma_wait3A_899 = tpu.memref_slice %arg8[%dma_wait3A_892] : memref<5x!tpu.dma_semaphore, #tpu.memory_space<semaphore_mem>> -> memref<1x!tpu.dma_semaphore, #tpu.memory_space<semaphore_mem>>
      %dma_wait3A_900 = tpu.memref_squeeze %dma_wait3A_899 : memref<1x!tpu.dma_semaphore, #tpu.memory_space<semaphore_mem>> -> memref<!tpu.dma_semaphore, #tpu.memory_space<semaphore_mem>>
      %dma_wait3A_901 = arith.constant 0 : i32
      %dma_wait3A_902 = tpu.memref_slice %arg4[%add3A_890, %dma_wait3A_901] : memref<204800x128xf32, #tpu.memory_space<hbm>> -> memref<128x128xf32, #tpu.memory_space<hbm>>
      %dma_wait3A_903 = arith.constant 0 : i32
      %dma_wait3A_904 = arith.constant 0 : i32
      %dma_wait3A_905 = tpu.memref_slice %arg6[%dma_wait3A_891, %dma_wait3A_903, %dma_wait3A_904] : memref<5x128x128xf32, #tpu.memory_space<vmem>> -> memref<1x128x128xf32, #tpu.memory_space<vmem>>
      %dma_wait3A_906 = tpu.memref_squeeze %dma_wait3A_905 : memref<1x128x128xf32, #tpu.memory_space<vmem>> -> memref<128x128xf32, #tpu.memory_space<vmem>>
      tpu.wait_dma2 semaphore(%dma_wait3A_900 : memref<!tpu.dma_semaphore, #tpu.memory_space<semaphore_mem>>) src(%dma_wait3A_906 : memref<128x128xf32, #tpu.memory_space<vmem>>) dst(%dma_wait3A_902 : memref<128x128xf32, #tpu.memory_space<hbm>>)
      %add3A_907 = arith.constant 5 : i32
      %add3A_908 = arith.addi %mul3A_600, %add3A_907 : i32
      %add3A_909 = arith.constant 0 : i32
      %add3A_910 = arith.addi %add3A_908, %add3A_909 : i32
      %mul3A_911 = arith.constant 128 : i32
      %mul3A_912 = arith.muli %add3A_910, %mul3A_911 : i32
      %add3A_913 = arith.constant 0 : i32
      %add3A_914 = arith.addi %mul3A_912, %add3A_913 : i32
      %dma_start3A_915 = arith.constant 0 : i32
      %dma_start3A_916 = arith.constant 0 : i32
      %dma_start3A_917 = arith.constant 0 : i32
      %dma_start3A_918 = arith.constant 0 : i32
      %dma_start3A_919 = arith.constant 0 : i32
      %dma_start3A_920 = tpu.memref_slice %arg6[%dma_start3A_915, %dma_start3A_918, %dma_start3A_919] : memref<5x128x128xf32, #tpu.memory_space<vmem>> -> memref<1x64x128xf32, #tpu.memory_space<vmem>>
      %dma_start3A_921 = tpu.memref_squeeze %dma_start3A_920 : memref<1x64x128xf32, #tpu.memory_space<vmem>> -> memref<64x128xf32, #tpu.memory_space<vmem>>
      %dma_start3A_922 = tpu.memref_slice %arg5[%add3A_914] : memref<6400xi32, #tpu.memory_space<vmem>> -> memref<64xi32, #tpu.memory_space<vmem>>
      %dma_start3A_923 = arith.constant 0 : i32
      %dma_start3A_924 = arith.constant 0 : i32
      %dma_start3A_925 = tpu.memref_slice %arg2[%dma_start3A_923, %dma_start3A_924] : memref<100002x128xf32, #tpu.memory_space<hbm>> -> memref<100002x128xf32, #tpu.memory_space<hbm>>
      %dma_start3A_926 = tpu.memref_slice %arg7[%dma_start3A_916, %dma_start3A_917] : memref<5x2x!tpu.dma_semaphore, #tpu.memory_space<semaphore_mem>> -> memref<1x1x!tpu.dma_semaphore, #tpu.memory_space<semaphore_mem>>
      %dma_start3A_927 = tpu.memref_squeeze %dma_start3A_926 : memref<1x1x!tpu.dma_semaphore, #tpu.memory_space<semaphore_mem>> -> memref<!tpu.dma_semaphore, #tpu.memory_space<semaphore_mem>>
      tpu.enqueue_indirect_dma source(%dma_start3A_925 : memref<100002x128xf32, #tpu.memory_space<hbm>>) target(%dma_start3A_921 : memref<64x128xf32, #tpu.memory_space<vmem>>) offsets(%dma_start3A_922 : memref<64xi32, #tpu.memory_space<vmem>>) semaphore(%dma_start3A_927 : memref<!tpu.dma_semaphore, #tpu.memory_space<semaphore_mem>>)
      %mul3A_928 = arith.constant 128 : i32
      %mul3A_929 = arith.muli %add3A_910, %mul3A_928 : i32
      %add3A_930 = arith.constant 64 : i32
      %add3A_931 = arith.addi %mul3A_929, %add3A_930 : i32
      %dma_start3A_932 = arith.constant 0 : i32
      %dma_start3A_933 = arith.constant 0 : i32
      %dma_start3A_934 = arith.constant 1 : i32
      %dma_start3A_935 = arith.constant 64 : i32
      %dma_start3A_936 = arith.constant 0 : i32
      %dma_start3A_937 = tpu.memref_slice %arg6[%dma_start3A_932, %dma_start3A_935, %dma_start3A_936] : memref<5x128x128xf32, #tpu.memory_space<vmem>> -> memref<1x64x128xf32, #tpu.memory_space<vmem>>
      %dma_start3A_938 = tpu.memref_squeeze %dma_start3A_937 : memref<1x64x128xf32, #tpu.memory_space<vmem>> -> memref<64x128xf32, #tpu.memory_space<vmem>>
      %dma_start3A_939 = tpu.memref_slice %arg5[%add3A_931] : memref<6400xi32, #tpu.memory_space<vmem>> -> memref<64xi32, #tpu.memory_space<vmem>>
      %dma_start3A_940 = arith.constant 0 : i32
      %dma_start3A_941 = arith.constant 0 : i32
      %dma_start3A_942 = tpu.memref_slice %arg2[%dma_start3A_940, %dma_start3A_941] : memref<100002x128xf32, #tpu.memory_space<hbm>> -> memref<100002x128xf32, #tpu.memory_space<hbm>>
      %dma_start3A_943 = tpu.memref_slice %arg7[%dma_start3A_933, %dma_start3A_934] : memref<5x2x!tpu.dma_semaphore, #tpu.memory_space<semaphore_mem>> -> memref<1x1x!tpu.dma_semaphore, #tpu.memory_space<semaphore_mem>>
      %dma_start3A_944 = tpu.memref_squeeze %dma_start3A_943 : memref<1x1x!tpu.dma_semaphore, #tpu.memory_space<semaphore_mem>> -> memref<!tpu.dma_semaphore, #tpu.memory_space<semaphore_mem>>
      tpu.enqueue_indirect_dma source(%dma_start3A_942 : memref<100002x128xf32, #tpu.memory_space<hbm>>) target(%dma_start3A_938 : memref<64x128xf32, #tpu.memory_space<vmem>>) offsets(%dma_start3A_939 : memref<64xi32, #tpu.memory_space<vmem>>) semaphore(%dma_start3A_944 : memref<!tpu.dma_semaphore, #tpu.memory_space<semaphore_mem>>)
      %add3A_945 = arith.constant 1 : i32
      %add3A_946 = arith.addi %mul3A_600, %add3A_945 : i32
      %mul3A_947 = arith.constant 128 : i32
      %mul3A_948 = arith.muli %add3A_946, %mul3A_947 : i32
      %add3A_949 = arith.addi %mul3A_2, %mul3A_948 : i32
      %dma_wait3A_950 = arith.constant 1 : i32
      %dma_wait3A_951 = arith.constant 1 : i32
      %dma_wait3A_952 = arith.constant 0 : i32
      %dma_wait3A_953 = arith.constant 0 : i32
      %dma_wait3A_954 = tpu.memref_slice %arg6[%dma_wait3A_950, %dma_wait3A_952, %dma_wait3A_953] : memref<5x128x128xf32, #tpu.memory_space<vmem>> -> memref<1x128x128xf32, #tpu.memory_space<vmem>>
      %dma_wait3A_955 = tpu.memref_squeeze %dma_wait3A_954 : memref<1x128x128xf32, #tpu.memory_space<vmem>> -> memref<128x128xf32, #tpu.memory_space<vmem>>
      %dma_wait3A_956 = arith.constant 0 : i32
      %dma_wait3A_957 = tpu.memref_slice %arg4[%add3A_949, %dma_wait3A_956] : memref<204800x128xf32, #tpu.memory_space<hbm>> -> memref<128x128xf32, #tpu.memory_space<hbm>>
      %dma_wait3A_958 = tpu.memref_slice %arg8[%dma_wait3A_951] : memref<5x!tpu.dma_semaphore, #tpu.memory_space<semaphore_mem>> -> memref<1x!tpu.dma_semaphore, #tpu.memory_space<semaphore_mem>>
      %dma_wait3A_959 = tpu.memref_squeeze %dma_wait3A_958 : memref<1x!tpu.dma_semaphore, #tpu.memory_space<semaphore_mem>> -> memref<!tpu.dma_semaphore, #tpu.memory_space<semaphore_mem>>
      %dma_wait3A_960 = arith.constant 0 : i32
      %dma_wait3A_961 = tpu.memref_slice %arg4[%add3A_949, %dma_wait3A_960] : memref<204800x128xf32, #tpu.memory_space<hbm>> -> memref<128x128xf32, #tpu.memory_space<hbm>>
      %dma_wait3A_962 = arith.constant 0 : i32
      %dma_wait3A_963 = arith.constant 0 : i32
      %dma_wait3A_964 = tpu.memref_slice %arg6[%dma_wait3A_950, %dma_wait3A_962, %dma_wait3A_963] : memref<5x128x128xf32, #tpu.memory_space<vmem>> -> memref<1x128x128xf32, #tpu.memory_space<vmem>>
      %dma_wait3A_965 = tpu.memref_squeeze %dma_wait3A_964 : memref<1x128x128xf32, #tpu.memory_space<vmem>> -> memref<128x128xf32, #tpu.memory_space<vmem>>
      tpu.wait_dma2 semaphore(%dma_wait3A_959 : memref<!tpu.dma_semaphore, #tpu.memory_space<semaphore_mem>>) src(%dma_wait3A_965 : memref<128x128xf32, #tpu.memory_space<vmem>>) dst(%dma_wait3A_961 : memref<128x128xf32, #tpu.memory_space<hbm>>)
      %add3A_966 = arith.constant 5 : i32
      %add3A_967 = arith.addi %mul3A_600, %add3A_966 : i32
      %add3A_968 = arith.constant 1 : i32
      %add3A_969 = arith.addi %add3A_967, %add3A_968 : i32
      %mul3A_970 = arith.constant 128 : i32
      %mul3A_971 = arith.muli %add3A_969, %mul3A_970 : i32
      %add3A_972 = arith.constant 0 : i32
      %add3A_973 = arith.addi %mul3A_971, %add3A_972 : i32
      %dma_start3A_974 = arith.constant 1 : i32
      %dma_start3A_975 = arith.constant 1 : i32
      %dma_start3A_976 = arith.constant 0 : i32
      %dma_start3A_977 = arith.constant 0 : i32
      %dma_start3A_978 = arith.constant 0 : i32
      %dma_start3A_979 = tpu.memref_slice %arg6[%dma_start3A_974, %dma_start3A_977, %dma_start3A_978] : memref<5x128x128xf32, #tpu.memory_space<vmem>> -> memref<1x64x128xf32, #tpu.memory_space<vmem>>
      %dma_start3A_980 = tpu.memref_squeeze %dma_start3A_979 : memref<1x64x128xf32, #tpu.memory_space<vmem>> -> memref<64x128xf32, #tpu.memory_space<vmem>>
      %dma_start3A_981 = tpu.memref_slice %arg5[%add3A_973] : memref<6400xi32, #tpu.memory_space<vmem>> -> memref<64xi32, #tpu.memory_space<vmem>>
      %dma_start3A_982 = arith.constant 0 : i32
      %dma_start3A_983 = arith.constant 0 : i32
      %dma_start3A_984 = tpu.memref_slice %arg2[%dma_start3A_982, %dma_start3A_983] : memref<100002x128xf32, #tpu.memory_space<hbm>> -> memref<100002x128xf32, #tpu.memory_space<hbm>>
      %dma_start3A_985 = tpu.memref_slice %arg7[%dma_start3A_975, %dma_start3A_976] : memref<5x2x!tpu.dma_semaphore, #tpu.memory_space<semaphore_mem>> -> memref<1x1x!tpu.dma_semaphore, #tpu.memory_space<semaphore_mem>>
      %dma_start3A_986 = tpu.memref_squeeze %dma_start3A_985 : memref<1x1x!tpu.dma_semaphore, #tpu.memory_space<semaphore_mem>> -> memref<!tpu.dma_semaphore, #tpu.memory_space<semaphore_mem>>
      tpu.enqueue_indirect_dma source(%dma_start3A_984 : memref<100002x128xf32, #tpu.memory_space<hbm>>) target(%dma_start3A_980 : memref<64x128xf32, #tpu.memory_space<vmem>>) offsets(%dma_start3A_981 : memref<64xi32, #tpu.memory_space<vmem>>) semaphore(%dma_start3A_986 : memref<!tpu.dma_semaphore, #tpu.memory_space<semaphore_mem>>)
      %mul3A_987 = arith.constant 128 : i32
      %mul3A_988 = arith.muli %add3A_969, %mul3A_987 : i32
      %add3A_989 = arith.constant 64 : i32
      %add3A_990 = arith.addi %mul3A_988, %add3A_989 : i32
      %dma_start3A_991 = arith.constant 1 : i32
      %dma_start3A_992 = arith.constant 1 : i32
      %dma_start3A_993 = arith.constant 1 : i32
      %dma_start3A_994 = arith.constant 64 : i32
      %dma_start3A_995 = arith.constant 0 : i32
      %dma_start3A_996 = tpu.memref_slice %arg6[%dma_start3A_991, %dma_start3A_994, %dma_start3A_995] : memref<5x128x128xf32, #tpu.memory_space<vmem>> -> memref<1x64x128xf32, #tpu.memory_space<vmem>>
      %dma_start3A_997 = tpu.memref_squeeze %dma_start3A_996 : memref<1x64x128xf32, #tpu.memory_space<vmem>> -> memref<64x128xf32, #tpu.memory_space<vmem>>
      %dma_start3A_998 = tpu.memref_slice %arg5[%add3A_990] : memref<6400xi32, #tpu.memory_space<vmem>> -> memref<64xi32, #tpu.memory_space<vmem>>
      %dma_start3A_999 = arith.constant 0 : i32
      %dma_start3A_1000 = arith.constant 0 : i32
      %dma_start3A_1001 = tpu.memref_slice %arg2[%dma_start3A_999, %dma_start3A_1000] : memref<100002x128xf32, #tpu.memory_space<hbm>> -> memref<100002x128xf32, #tpu.memory_space<hbm>>
      %dma_start3A_1002 = tpu.memref_slice %arg7[%dma_start3A_992, %dma_start3A_993] : memref<5x2x!tpu.dma_semaphore, #tpu.memory_space<semaphore_mem>> -> memref<1x1x!tpu.dma_semaphore, #tpu.memory_space<semaphore_mem>>
      %dma_start3A_1003 = tpu.memref_squeeze %dma_start3A_1002 : memref<1x1x!tpu.dma_semaphore, #tpu.memory_space<semaphore_mem>> -> memref<!tpu.dma_semaphore, #tpu.memory_space<semaphore_mem>>
      tpu.enqueue_indirect_dma source(%dma_start3A_1001 : memref<100002x128xf32, #tpu.memory_space<hbm>>) target(%dma_start3A_997 : memref<64x128xf32, #tpu.memory_space<vmem>>) offsets(%dma_start3A_998 : memref<64xi32, #tpu.memory_space<vmem>>) semaphore(%dma_start3A_1003 : memref<!tpu.dma_semaphore, #tpu.memory_space<semaphore_mem>>)
      %add3A_1004 = arith.constant 2 : i32
      %add3A_1005 = arith.addi %mul3A_600, %add3A_1004 : i32
      %mul3A_1006 = arith.constant 128 : i32
      %mul3A_1007 = arith.muli %add3A_1005, %mul3A_1006 : i32
      %add3A_1008 = arith.addi %mul3A_2, %mul3A_1007 : i32
      %dma_wait3A_1009 = arith.constant 2 : i32
      %dma_wait3A_1010 = arith.constant 2 : i32
      %dma_wait3A_1011 = arith.constant 0 : i32
      %dma_wait3A_1012 = arith.constant 0 : i32
      %dma_wait3A_1013 = tpu.memref_slice %arg6[%dma_wait3A_1009, %dma_wait3A_1011, %dma_wait3A_1012] : memref<5x128x128xf32, #tpu.memory_space<vmem>> -> memref<1x128x128xf32, #tpu.memory_space<vmem>>
      %dma_wait3A_1014 = tpu.memref_squeeze %dma_wait3A_1013 : memref<1x128x128xf32, #tpu.memory_space<vmem>> -> memref<128x128xf32, #tpu.memory_space<vmem>>
      %dma_wait3A_1015 = arith.constant 0 : i32
      %dma_wait3A_1016 = tpu.memref_slice %arg4[%add3A_1008, %dma_wait3A_1015] : memref<204800x128xf32, #tpu.memory_space<hbm>> -> memref<128x128xf32, #tpu.memory_space<hbm>>
      %dma_wait3A_1017 = tpu.memref_slice %arg8[%dma_wait3A_1010] : memref<5x!tpu.dma_semaphore, #tpu.memory_space<semaphore_mem>> -> memref<1x!tpu.dma_semaphore, #tpu.memory_space<semaphore_mem>>
      %dma_wait3A_1018 = tpu.memref_squeeze %dma_wait3A_1017 : memref<1x!tpu.dma_semaphore, #tpu.memory_space<semaphore_mem>> -> memref<!tpu.dma_semaphore, #tpu.memory_space<semaphore_mem>>
      %dma_wait3A_1019 = arith.constant 0 : i32
      %dma_wait3A_1020 = tpu.memref_slice %arg4[%add3A_1008, %dma_wait3A_1019] : memref<204800x128xf32, #tpu.memory_space<hbm>> -> memref<128x128xf32, #tpu.memory_space<hbm>>
      %dma_wait3A_1021 = arith.constant 0 : i32
      %dma_wait3A_1022 = arith.constant 0 : i32
      %dma_wait3A_1023 = tpu.memref_slice %arg6[%dma_wait3A_1009, %dma_wait3A_1021, %dma_wait3A_1022] : memref<5x128x128xf32, #tpu.memory_space<vmem>> -> memref<1x128x128xf32, #tpu.memory_space<vmem>>
      %dma_wait3A_1024 = tpu.memref_squeeze %dma_wait3A_1023 : memref<1x128x128xf32, #tpu.memory_space<vmem>> -> memref<128x128xf32, #tpu.memory_space<vmem>>
      tpu.wait_dma2 semaphore(%dma_wait3A_1018 : memref<!tpu.dma_semaphore, #tpu.memory_space<semaphore_mem>>) src(%dma_wait3A_1024 : memref<128x128xf32, #tpu.memory_space<vmem>>) dst(%dma_wait3A_1020 : memref<128x128xf32, #tpu.memory_space<hbm>>)
      %add3A_1025 = arith.constant 5 : i32
      %add3A_1026 = arith.addi %mul3A_600, %add3A_1025 : i32
      %add3A_1027 = arith.constant 2 : i32
      %add3A_1028 = arith.addi %add3A_1026, %add3A_1027 : i32
      %mul3A_1029 = arith.constant 128 : i32
      %mul3A_1030 = arith.muli %add3A_1028, %mul3A_1029 : i32
      %add3A_1031 = arith.constant 0 : i32
      %add3A_1032 = arith.addi %mul3A_1030, %add3A_1031 : i32
      %dma_start3A_1033 = arith.constant 2 : i32
      %dma_start3A_1034 = arith.constant 2 : i32
      %dma_start3A_1035 = arith.constant 0 : i32
      %dma_start3A_1036 = arith.constant 0 : i32
      %dma_start3A_1037 = arith.constant 0 : i32
      %dma_start3A_1038 = tpu.memref_slice %arg6[%dma_start3A_1033, %dma_start3A_1036, %dma_start3A_1037] : memref<5x128x128xf32, #tpu.memory_space<vmem>> -> memref<1x64x128xf32, #tpu.memory_space<vmem>>
      %dma_start3A_1039 = tpu.memref_squeeze %dma_start3A_1038 : memref<1x64x128xf32, #tpu.memory_space<vmem>> -> memref<64x128xf32, #tpu.memory_space<vmem>>
      %dma_start3A_1040 = tpu.memref_slice %arg5[%add3A_1032] : memref<6400xi32, #tpu.memory_space<vmem>> -> memref<64xi32, #tpu.memory_space<vmem>>
      %dma_start3A_1041 = arith.constant 0 : i32
      %dma_start3A_1042 = arith.constant 0 : i32
      %dma_start3A_1043 = tpu.memref_slice %arg2[%dma_start3A_1041, %dma_start3A_1042] : memref<100002x128xf32, #tpu.memory_space<hbm>> -> memref<100002x128xf32, #tpu.memory_space<hbm>>
      %dma_start3A_1044 = tpu.memref_slice %arg7[%dma_start3A_1034, %dma_start3A_1035] : memref<5x2x!tpu.dma_semaphore, #tpu.memory_space<semaphore_mem>> -> memref<1x1x!tpu.dma_semaphore, #tpu.memory_space<semaphore_mem>>
      %dma_start3A_1045 = tpu.memref_squeeze %dma_start3A_1044 : memref<1x1x!tpu.dma_semaphore, #tpu.memory_space<semaphore_mem>> -> memref<!tpu.dma_semaphore, #tpu.memory_space<semaphore_mem>>
      tpu.enqueue_indirect_dma source(%dma_start3A_1043 : memref<100002x128xf32, #tpu.memory_space<hbm>>) target(%dma_start3A_1039 : memref<64x128xf32, #tpu.memory_space<vmem>>) offsets(%dma_start3A_1040 : memref<64xi32, #tpu.memory_space<vmem>>) semaphore(%dma_start3A_1045 : memref<!tpu.dma_semaphore, #tpu.memory_space<semaphore_mem>>)
      %mul3A_1046 = arith.constant 128 : i32
      %mul3A_1047 = arith.muli %add3A_1028, %mul3A_1046 : i32
      %add3A_1048 = arith.constant 64 : i32
      %add3A_1049 = arith.addi %mul3A_1047, %add3A_1048 : i32
      %dma_start3A_1050 = arith.constant 2 : i32
      %dma_start3A_1051 = arith.constant 2 : i32
      %dma_start3A_1052 = arith.constant 1 : i32
      %dma_start3A_1053 = arith.constant 64 : i32
      %dma_start3A_1054 = arith.constant 0 : i32
      %dma_start3A_1055 = tpu.memref_slice %arg6[%dma_start3A_1050, %dma_start3A_1053, %dma_start3A_1054] : memref<5x128x128xf32, #tpu.memory_space<vmem>> -> memref<1x64x128xf32, #tpu.memory_space<vmem>>
      %dma_start3A_1056 = tpu.memref_squeeze %dma_start3A_1055 : memref<1x64x128xf32, #tpu.memory_space<vmem>> -> memref<64x128xf32, #tpu.memory_space<vmem>>
      %dma_start3A_1057 = tpu.memref_slice %arg5[%add3A_1049] : memref<6400xi32, #tpu.memory_space<vmem>> -> memref<64xi32, #tpu.memory_space<vmem>>
      %dma_start3A_1058 = arith.constant 0 : i32
      %dma_start3A_1059 = arith.constant 0 : i32
      %dma_start3A_1060 = tpu.memref_slice %arg2[%dma_start3A_1058, %dma_start3A_1059] : memref<100002x128xf32, #tpu.memory_space<hbm>> -> memref<100002x128xf32, #tpu.memory_space<hbm>>
      %dma_start3A_1061 = tpu.memref_slice %arg7[%dma_start3A_1051, %dma_start3A_1052] : memref<5x2x!tpu.dma_semaphore, #tpu.memory_space<semaphore_mem>> -> memref<1x1x!tpu.dma_semaphore, #tpu.memory_space<semaphore_mem>>
      %dma_start3A_1062 = tpu.memref_squeeze %dma_start3A_1061 : memref<1x1x!tpu.dma_semaphore, #tpu.memory_space<semaphore_mem>> -> memref<!tpu.dma_semaphore, #tpu.memory_space<semaphore_mem>>
      tpu.enqueue_indirect_dma source(%dma_start3A_1060 : memref<100002x128xf32, #tpu.memory_space<hbm>>) target(%dma_start3A_1056 : memref<64x128xf32, #tpu.memory_space<vmem>>) offsets(%dma_start3A_1057 : memref<64xi32, #tpu.memory_space<vmem>>) semaphore(%dma_start3A_1062 : memref<!tpu.dma_semaphore, #tpu.memory_space<semaphore_mem>>)
      %add3A_1063 = arith.constant 3 : i32
      %add3A_1064 = arith.addi %mul3A_600, %add3A_1063 : i32
      %mul3A_1065 = arith.constant 128 : i32
      %mul3A_1066 = arith.muli %add3A_1064, %mul3A_1065 : i32
      %add3A_1067 = arith.addi %mul3A_2, %mul3A_1066 : i32
      %dma_wait3A_1068 = arith.constant 3 : i32
      %dma_wait3A_1069 = arith.constant 3 : i32
      %dma_wait3A_1070 = arith.constant 0 : i32
      %dma_wait3A_1071 = arith.constant 0 : i32
      %dma_wait3A_1072 = tpu.memref_slice %arg6[%dma_wait3A_1068, %dma_wait3A_1070, %dma_wait3A_1071] : memref<5x128x128xf32, #tpu.memory_space<vmem>> -> memref<1x128x128xf32, #tpu.memory_space<vmem>>
      %dma_wait3A_1073 = tpu.memref_squeeze %dma_wait3A_1072 : memref<1x128x128xf32, #tpu.memory_space<vmem>> -> memref<128x128xf32, #tpu.memory_space<vmem>>
      %dma_wait3A_1074 = arith.constant 0 : i32
      %dma_wait3A_1075 = tpu.memref_slice %arg4[%add3A_1067, %dma_wait3A_1074] : memref<204800x128xf32, #tpu.memory_space<hbm>> -> memref<128x128xf32, #tpu.memory_space<hbm>>
      %dma_wait3A_1076 = tpu.memref_slice %arg8[%dma_wait3A_1069] : memref<5x!tpu.dma_semaphore, #tpu.memory_space<semaphore_mem>> -> memref<1x!tpu.dma_semaphore, #tpu.memory_space<semaphore_mem>>
      %dma_wait3A_1077 = tpu.memref_squeeze %dma_wait3A_1076 : memref<1x!tpu.dma_semaphore, #tpu.memory_space<semaphore_mem>> -> memref<!tpu.dma_semaphore, #tpu.memory_space<semaphore_mem>>
      %dma_wait3A_1078 = arith.constant 0 : i32
      %dma_wait3A_1079 = tpu.memref_slice %arg4[%add3A_1067, %dma_wait3A_1078] : memref<204800x128xf32, #tpu.memory_space<hbm>> -> memref<128x128xf32, #tpu.memory_space<hbm>>
      %dma_wait3A_1080 = arith.constant 0 : i32
      %dma_wait3A_1081 = arith.constant 0 : i32
      %dma_wait3A_1082 = tpu.memref_slice %arg6[%dma_wait3A_1068, %dma_wait3A_1080, %dma_wait3A_1081] : memref<5x128x128xf32, #tpu.memory_space<vmem>> -> memref<1x128x128xf32, #tpu.memory_space<vmem>>
      %dma_wait3A_1083 = tpu.memref_squeeze %dma_wait3A_1082 : memref<1x128x128xf32, #tpu.memory_space<vmem>> -> memref<128x128xf32, #tpu.memory_space<vmem>>
      tpu.wait_dma2 semaphore(%dma_wait3A_1077 : memref<!tpu.dma_semaphore, #tpu.memory_space<semaphore_mem>>) src(%dma_wait3A_1083 : memref<128x128xf32, #tpu.memory_space<vmem>>) dst(%dma_wait3A_1079 : memref<128x128xf32, #tpu.memory_space<hbm>>)
      %add3A_1084 = arith.constant 5 : i32
      %add3A_1085 = arith.addi %mul3A_600, %add3A_1084 : i32
      %add3A_1086 = arith.constant 3 : i32
      %add3A_1087 = arith.addi %add3A_1085, %add3A_1086 : i32
      %mul3A_1088 = arith.constant 128 : i32
      %mul3A_1089 = arith.muli %add3A_1087, %mul3A_1088 : i32
      %add3A_1090 = arith.constant 0 : i32
      %add3A_1091 = arith.addi %mul3A_1089, %add3A_1090 : i32
      %dma_start3A_1092 = arith.constant 3 : i32
      %dma_start3A_1093 = arith.constant 3 : i32
      %dma_start3A_1094 = arith.constant 0 : i32
      %dma_start3A_1095 = arith.constant 0 : i32
      %dma_start3A_1096 = arith.constant 0 : i32
      %dma_start3A_1097 = tpu.memref_slice %arg6[%dma_start3A_1092, %dma_start3A_1095, %dma_start3A_1096] : memref<5x128x128xf32, #tpu.memory_space<vmem>> -> memref<1x64x128xf32, #tpu.memory_space<vmem>>
      %dma_start3A_1098 = tpu.memref_squeeze %dma_start3A_1097 : memref<1x64x128xf32, #tpu.memory_space<vmem>> -> memref<64x128xf32, #tpu.memory_space<vmem>>
      %dma_start3A_1099 = tpu.memref_slice %arg5[%add3A_1091] : memref<6400xi32, #tpu.memory_space<vmem>> -> memref<64xi32, #tpu.memory_space<vmem>>
      %dma_start3A_1100 = arith.constant 0 : i32
      %dma_start3A_1101 = arith.constant 0 : i32
      %dma_start3A_1102 = tpu.memref_slice %arg2[%dma_start3A_1100, %dma_start3A_1101] : memref<100002x128xf32, #tpu.memory_space<hbm>> -> memref<100002x128xf32, #tpu.memory_space<hbm>>
      %dma_start3A_1103 = tpu.memref_slice %arg7[%dma_start3A_1093, %dma_start3A_1094] : memref<5x2x!tpu.dma_semaphore, #tpu.memory_space<semaphore_mem>> -> memref<1x1x!tpu.dma_semaphore, #tpu.memory_space<semaphore_mem>>
      %dma_start3A_1104 = tpu.memref_squeeze %dma_start3A_1103 : memref<1x1x!tpu.dma_semaphore, #tpu.memory_space<semaphore_mem>> -> memref<!tpu.dma_semaphore, #tpu.memory_space<semaphore_mem>>
      tpu.enqueue_indirect_dma source(%dma_start3A_1102 : memref<100002x128xf32, #tpu.memory_space<hbm>>) target(%dma_start3A_1098 : memref<64x128xf32, #tpu.memory_space<vmem>>) offsets(%dma_start3A_1099 : memref<64xi32, #tpu.memory_space<vmem>>) semaphore(%dma_start3A_1104 : memref<!tpu.dma_semaphore, #tpu.memory_space<semaphore_mem>>)
      %mul3A_1105 = arith.constant 128 : i32
      %mul3A_1106 = arith.muli %add3A_1087, %mul3A_1105 : i32
      %add3A_1107 = arith.constant 64 : i32
      %add3A_1108 = arith.addi %mul3A_1106, %add3A_1107 : i32
      %dma_start3A_1109 = arith.constant 3 : i32
      %dma_start3A_1110 = arith.constant 3 : i32
      %dma_start3A_1111 = arith.constant 1 : i32
      %dma_start3A_1112 = arith.constant 64 : i32
      %dma_start3A_1113 = arith.constant 0 : i32
      %dma_start3A_1114 = tpu.memref_slice %arg6[%dma_start3A_1109, %dma_start3A_1112, %dma_start3A_1113] : memref<5x128x128xf32, #tpu.memory_space<vmem>> -> memref<1x64x128xf32, #tpu.memory_space<vmem>>
      %dma_start3A_1115 = tpu.memref_squeeze %dma_start3A_1114 : memref<1x64x128xf32, #tpu.memory_space<vmem>> -> memref<64x128xf32, #tpu.memory_space<vmem>>
      %dma_start3A_1116 = tpu.memref_slice %arg5[%add3A_1108] : memref<6400xi32, #tpu.memory_space<vmem>> -> memref<64xi32, #tpu.memory_space<vmem>>
      %dma_start3A_1117 = arith.constant 0 : i32
      %dma_start3A_1118 = arith.constant 0 : i32
      %dma_start3A_1119 = tpu.memref_slice %arg2[%dma_start3A_1117, %dma_start3A_1118] : memref<100002x128xf32, #tpu.memory_space<hbm>> -> memref<100002x128xf32, #tpu.memory_space<hbm>>
      %dma_start3A_1120 = tpu.memref_slice %arg7[%dma_start3A_1110, %dma_start3A_1111] : memref<5x2x!tpu.dma_semaphore, #tpu.memory_space<semaphore_mem>> -> memref<1x1x!tpu.dma_semaphore, #tpu.memory_space<semaphore_mem>>
      %dma_start3A_1121 = tpu.memref_squeeze %dma_start3A_1120 : memref<1x1x!tpu.dma_semaphore, #tpu.memory_space<semaphore_mem>> -> memref<!tpu.dma_semaphore, #tpu.memory_space<semaphore_mem>>
      tpu.enqueue_indirect_dma source(%dma_start3A_1119 : memref<100002x128xf32, #tpu.memory_space<hbm>>) target(%dma_start3A_1115 : memref<64x128xf32, #tpu.memory_space<vmem>>) offsets(%dma_start3A_1116 : memref<64xi32, #tpu.memory_space<vmem>>) semaphore(%dma_start3A_1121 : memref<!tpu.dma_semaphore, #tpu.memory_space<semaphore_mem>>)
      %add3A_1122 = arith.constant 4 : i32
      %add3A_1123 = arith.addi %mul3A_600, %add3A_1122 : i32
      %mul3A_1124 = arith.constant 128 : i32
      %mul3A_1125 = arith.muli %add3A_1123, %mul3A_1124 : i32
      %add3A_1126 = arith.addi %mul3A_2, %mul3A_1125 : i32
      %dma_wait3A_1127 = arith.constant 4 : i32
      %dma_wait3A_1128 = arith.constant 4 : i32
      %dma_wait3A_1129 = arith.constant 0 : i32
      %dma_wait3A_1130 = arith.constant 0 : i32
      %dma_wait3A_1131 = tpu.memref_slice %arg6[%dma_wait3A_1127, %dma_wait3A_1129, %dma_wait3A_1130] : memref<5x128x128xf32, #tpu.memory_space<vmem>> -> memref<1x128x128xf32, #tpu.memory_space<vmem>>
      %dma_wait3A_1132 = tpu.memref_squeeze %dma_wait3A_1131 : memref<1x128x128xf32, #tpu.memory_space<vmem>> -> memref<128x128xf32, #tpu.memory_space<vmem>>
      %dma_wait3A_1133 = arith.constant 0 : i32
      %dma_wait3A_1134 = tpu.memref_slice %arg4[%add3A_1126, %dma_wait3A_1133] : memref<204800x128xf32, #tpu.memory_space<hbm>> -> memref<128x128xf32, #tpu.memory_space<hbm>>
      %dma_wait3A_1135 = tpu.memref_slice %arg8[%dma_wait3A_1128] : memref<5x!tpu.dma_semaphore, #tpu.memory_space<semaphore_mem>> -> memref<1x!tpu.dma_semaphore, #tpu.memory_space<semaphore_mem>>
      %dma_wait3A_1136 = tpu.memref_squeeze %dma_wait3A_1135 : memref<1x!tpu.dma_semaphore, #tpu.memory_space<semaphore_mem>> -> memref<!tpu.dma_semaphore, #tpu.memory_space<semaphore_mem>>
      %dma_wait3A_1137 = arith.constant 0 : i32
      %dma_wait3A_1138 = tpu.memref_slice %arg4[%add3A_1126, %dma_wait3A_1137] : memref<204800x128xf32, #tpu.memory_space<hbm>> -> memref<128x128xf32, #tpu.memory_space<hbm>>
      %dma_wait3A_1139 = arith.constant 0 : i32
      %dma_wait3A_1140 = arith.constant 0 : i32
      %dma_wait3A_1141 = tpu.memref_slice %arg6[%dma_wait3A_1127, %dma_wait3A_1139, %dma_wait3A_1140] : memref<5x128x128xf32, #tpu.memory_space<vmem>> -> memref<1x128x128xf32, #tpu.memory_space<vmem>>
      %dma_wait3A_1142 = tpu.memref_squeeze %dma_wait3A_1141 : memref<1x128x128xf32, #tpu.memory_space<vmem>> -> memref<128x128xf32, #tpu.memory_space<vmem>>
      tpu.wait_dma2 semaphore(%dma_wait3A_1136 : memref<!tpu.dma_semaphore, #tpu.memory_space<semaphore_mem>>) src(%dma_wait3A_1142 : memref<128x128xf32, #tpu.memory_space<vmem>>) dst(%dma_wait3A_1138 : memref<128x128xf32, #tpu.memory_space<hbm>>)
      %add3A_1143 = arith.constant 5 : i32
      %add3A_1144 = arith.addi %mul3A_600, %add3A_1143 : i32
      %add3A_1145 = arith.constant 4 : i32
      %add3A_1146 = arith.addi %add3A_1144, %add3A_1145 : i32
      %mul3A_1147 = arith.constant 128 : i32
      %mul3A_1148 = arith.muli %add3A_1146, %mul3A_1147 : i32
      %add3A_1149 = arith.constant 0 : i32
      %add3A_1150 = arith.addi %mul3A_1148, %add3A_1149 : i32
      %dma_start3A_1151 = arith.constant 4 : i32
      %dma_start3A_1152 = arith.constant 4 : i32
      %dma_start3A_1153 = arith.constant 0 : i32
      %dma_start3A_1154 = arith.constant 0 : i32
      %dma_start3A_1155 = arith.constant 0 : i32
      %dma_start3A_1156 = tpu.memref_slice %arg6[%dma_start3A_1151, %dma_start3A_1154, %dma_start3A_1155] : memref<5x128x128xf32, #tpu.memory_space<vmem>> -> memref<1x64x128xf32, #tpu.memory_space<vmem>>
      %dma_start3A_1157 = tpu.memref_squeeze %dma_start3A_1156 : memref<1x64x128xf32, #tpu.memory_space<vmem>> -> memref<64x128xf32, #tpu.memory_space<vmem>>
      %dma_start3A_1158 = tpu.memref_slice %arg5[%add3A_1150] : memref<6400xi32, #tpu.memory_space<vmem>> -> memref<64xi32, #tpu.memory_space<vmem>>
      %dma_start3A_1159 = arith.constant 0 : i32
      %dma_start3A_1160 = arith.constant 0 : i32
      %dma_start3A_1161 = tpu.memref_slice %arg2[%dma_start3A_1159, %dma_start3A_1160] : memref<100002x128xf32, #tpu.memory_space<hbm>> -> memref<100002x128xf32, #tpu.memory_space<hbm>>
      %dma_start3A_1162 = tpu.memref_slice %arg7[%dma_start3A_1152, %dma_start3A_1153] : memref<5x2x!tpu.dma_semaphore, #tpu.memory_space<semaphore_mem>> -> memref<1x1x!tpu.dma_semaphore, #tpu.memory_space<semaphore_mem>>
      %dma_start3A_1163 = tpu.memref_squeeze %dma_start3A_1162 : memref<1x1x!tpu.dma_semaphore, #tpu.memory_space<semaphore_mem>> -> memref<!tpu.dma_semaphore, #tpu.memory_space<semaphore_mem>>
      tpu.enqueue_indirect_dma source(%dma_start3A_1161 : memref<100002x128xf32, #tpu.memory_space<hbm>>) target(%dma_start3A_1157 : memref<64x128xf32, #tpu.memory_space<vmem>>) offsets(%dma_start3A_1158 : memref<64xi32, #tpu.memory_space<vmem>>) semaphore(%dma_start3A_1163 : memref<!tpu.dma_semaphore, #tpu.memory_space<semaphore_mem>>)
      %mul3A_1164 = arith.constant 128 : i32
      %mul3A_1165 = arith.muli %add3A_1146, %mul3A_1164 : i32
      %add3A_1166 = arith.constant 64 : i32
      %add3A_1167 = arith.addi %mul3A_1165, %add3A_1166 : i32
      %dma_start3A_1168 = arith.constant 4 : i32
      %dma_start3A_1169 = arith.constant 4 : i32
      %dma_start3A_1170 = arith.constant 1 : i32
      %dma_start3A_1171 = arith.constant 64 : i32
      %dma_start3A_1172 = arith.constant 0 : i32
      %dma_start3A_1173 = tpu.memref_slice %arg6[%dma_start3A_1168, %dma_start3A_1171, %dma_start3A_1172] : memref<5x128x128xf32, #tpu.memory_space<vmem>> -> memref<1x64x128xf32, #tpu.memory_space<vmem>>
      %dma_start3A_1174 = tpu.memref_squeeze %dma_start3A_1173 : memref<1x64x128xf32, #tpu.memory_space<vmem>> -> memref<64x128xf32, #tpu.memory_space<vmem>>
      %dma_start3A_1175 = tpu.memref_slice %arg5[%add3A_1167] : memref<6400xi32, #tpu.memory_space<vmem>> -> memref<64xi32, #tpu.memory_space<vmem>>
      %dma_start3A_1176 = arith.constant 0 : i32
      %dma_start3A_1177 = arith.constant 0 : i32
      %dma_start3A_1178 = tpu.memref_slice %arg2[%dma_start3A_1176, %dma_start3A_1177] : memref<100002x128xf32, #tpu.memory_space<hbm>> -> memref<100002x128xf32, #tpu.memory_space<hbm>>
      %dma_start3A_1179 = tpu.memref_slice %arg7[%dma_start3A_1169, %dma_start3A_1170] : memref<5x2x!tpu.dma_semaphore, #tpu.memory_space<semaphore_mem>> -> memref<1x1x!tpu.dma_semaphore, #tpu.memory_space<semaphore_mem>>
      %dma_start3A_1180 = tpu.memref_squeeze %dma_start3A_1179 : memref<1x1x!tpu.dma_semaphore, #tpu.memory_space<semaphore_mem>> -> memref<!tpu.dma_semaphore, #tpu.memory_space<semaphore_mem>>
      tpu.enqueue_indirect_dma source(%dma_start3A_1178 : memref<100002x128xf32, #tpu.memory_space<hbm>>) target(%dma_start3A_1174 : memref<64x128xf32, #tpu.memory_space<vmem>>) offsets(%dma_start3A_1175 : memref<64xi32, #tpu.memory_space<vmem>>) semaphore(%dma_start3A_1180 : memref<!tpu.dma_semaphore, #tpu.memory_space<semaphore_mem>>)
    }
    %scan3A_188 = arith.constant 9 : i32
    %add3A_189 = arith.constant 45 : i32
    %add3A_190 = arith.constant 0 : i32
    %add3A_191 = arith.addi %add3A_189, %add3A_190 : i32
    %mul3A_192 = arith.constant 128 : i32
    %mul3A_193 = arith.muli %add3A_191, %mul3A_192 : i32
    %add3A_194 = arith.constant 0 : i32
    %add3A_195 = arith.addi %mul3A_193, %add3A_194 : i32
    %dma_wait3A_196 = arith.constant 0 : i32
    %dma_wait3A_197 = arith.constant 0 : i32
    %dma_wait3A_198 = arith.constant 0 : i32
    %dma_wait3A_199 = arith.constant 0 : i32
    %dma_wait3A_200 = arith.constant 0 : i32
    %dma_wait3A_201 = tpu.memref_slice %arg6[%dma_wait3A_196, %dma_wait3A_199, %dma_wait3A_200] : memref<5x128x128xf32, #tpu.memory_space<vmem>> -> memref<1x64x128xf32, #tpu.memory_space<vmem>>
    %dma_wait3A_202 = tpu.memref_squeeze %dma_wait3A_201 : memref<1x64x128xf32, #tpu.memory_space<vmem>> -> memref<64x128xf32, #tpu.memory_space<vmem>>
    %dma_wait3A_203 = tpu.memref_slice %arg5[%add3A_195] : memref<6400xi32, #tpu.memory_space<vmem>> -> memref<64xi32, #tpu.memory_space<vmem>>
    %dma_wait3A_204 = arith.constant 0 : i32
    %dma_wait3A_205 = arith.constant 0 : i32
    %dma_wait3A_206 = tpu.memref_slice %arg2[%dma_wait3A_204, %dma_wait3A_205] : memref<100002x128xf32, #tpu.memory_space<hbm>> -> memref<100002x128xf32, #tpu.memory_space<hbm>>
    %dma_wait3A_207 = tpu.memref_slice %arg7[%dma_wait3A_197, %dma_wait3A_198] : memref<5x2x!tpu.dma_semaphore, #tpu.memory_space<semaphore_mem>> -> memref<1x1x!tpu.dma_semaphore, #tpu.memory_space<semaphore_mem>>
    %dma_wait3A_208 = tpu.memref_squeeze %dma_wait3A_207 : memref<1x1x!tpu.dma_semaphore, #tpu.memory_space<semaphore_mem>> -> memref<!tpu.dma_semaphore, #tpu.memory_space<semaphore_mem>>
    tpu.wait_indirect_dma semaphore(%dma_wait3A_208 : memref<!tpu.dma_semaphore, #tpu.memory_space<semaphore_mem>>) src(%dma_wait3A_206 : memref<100002x128xf32, #tpu.memory_space<hbm>>) dst(%dma_wait3A_202 : memref<64x128xf32, #tpu.memory_space<vmem>>)
    %mul3A_209 = arith.constant 128 : i32
    %mul3A_210 = arith.muli %add3A_191, %mul3A_209 : i32
    %add3A_211 = arith.constant 64 : i32
    %add3A_212 = arith.addi %mul3A_210, %add3A_211 : i32
    %dma_wait3A_213 = arith.constant 0 : i32
    %dma_wait3A_214 = arith.constant 0 : i32
    %dma_wait3A_215 = arith.constant 1 : i32
    %dma_wait3A_216 = arith.constant 64 : i32
    %dma_wait3A_217 = arith.constant 0 : i32
    %dma_wait3A_218 = tpu.memref_slice %arg6[%dma_wait3A_213, %dma_wait3A_216, %dma_wait3A_217] : memref<5x128x128xf32, #tpu.memory_space<vmem>> -> memref<1x64x128xf32, #tpu.memory_space<vmem>>
    %dma_wait3A_219 = tpu.memref_squeeze %dma_wait3A_218 : memref<1x64x128xf32, #tpu.memory_space<vmem>> -> memref<64x128xf32, #tpu.memory_space<vmem>>
    %dma_wait3A_220 = tpu.memref_slice %arg5[%add3A_212] : memref<6400xi32, #tpu.memory_space<vmem>> -> memref<64xi32, #tpu.memory_space<vmem>>
    %dma_wait3A_221 = arith.constant 0 : i32
    %dma_wait3A_222 = arith.constant 0 : i32
    %dma_wait3A_223 = tpu.memref_slice %arg2[%dma_wait3A_221, %dma_wait3A_222] : memref<100002x128xf32, #tpu.memory_space<hbm>> -> memref<100002x128xf32, #tpu.memory_space<hbm>>
    %dma_wait3A_224 = tpu.memref_slice %arg7[%dma_wait3A_214, %dma_wait3A_215] : memref<5x2x!tpu.dma_semaphore, #tpu.memory_space<semaphore_mem>> -> memref<1x1x!tpu.dma_semaphore, #tpu.memory_space<semaphore_mem>>
    %dma_wait3A_225 = tpu.memref_squeeze %dma_wait3A_224 : memref<1x1x!tpu.dma_semaphore, #tpu.memory_space<semaphore_mem>> -> memref<!tpu.dma_semaphore, #tpu.memory_space<semaphore_mem>>
    tpu.wait_indirect_dma semaphore(%dma_wait3A_225 : memref<!tpu.dma_semaphore, #tpu.memory_space<semaphore_mem>>) src(%dma_wait3A_223 : memref<100002x128xf32, #tpu.memory_space<hbm>>) dst(%dma_wait3A_219 : memref<64x128xf32, #tpu.memory_space<vmem>>)
    %add3A_226 = arith.constant 45 : i32
    %add3A_227 = arith.constant 0 : i32
    %add3A_228 = arith.addi %add3A_226, %add3A_227 : i32
    %mul3A_229 = arith.constant 128 : i32
    %mul3A_230 = arith.muli %add3A_228, %mul3A_229 : i32
    %add3A_231 = arith.addi %mul3A_2, %mul3A_230 : i32
    %dma_start3A_232 = arith.constant 0 : i32
    %dma_start3A_233 = arith.constant 0 : i32
    %dma_start3A_234 = arith.constant 0 : i32
    %dma_start3A_235 = arith.constant 0 : i32
    %dma_start3A_236 = tpu.memref_slice %arg6[%dma_start3A_232, %dma_start3A_234, %dma_start3A_235] : memref<5x128x128xf32, #tpu.memory_space<vmem>> -> memref<1x128x128xf32, #tpu.memory_space<vmem>>
    %dma_start3A_237 = tpu.memref_squeeze %dma_start3A_236 : memref<1x128x128xf32, #tpu.memory_space<vmem>> -> memref<128x128xf32, #tpu.memory_space<vmem>>
    %dma_start3A_238 = arith.constant 0 : i32
    %dma_start3A_239 = tpu.memref_slice %arg4[%add3A_231, %dma_start3A_238] : memref<204800x128xf32, #tpu.memory_space<hbm>> -> memref<128x128xf32, #tpu.memory_space<hbm>>
    %dma_start3A_240 = tpu.memref_slice %arg8[%dma_start3A_233] : memref<5x!tpu.dma_semaphore, #tpu.memory_space<semaphore_mem>> -> memref<1x!tpu.dma_semaphore, #tpu.memory_space<semaphore_mem>>
    %dma_start3A_241 = tpu.memref_squeeze %dma_start3A_240 : memref<1x!tpu.dma_semaphore, #tpu.memory_space<semaphore_mem>> -> memref<!tpu.dma_semaphore, #tpu.memory_space<semaphore_mem>>
    %dma_start3A_242 = arith.constant 0 : i32
    %dma_start3A_243 = tpu.memref_slice %arg4[%add3A_231, %dma_start3A_242] : memref<204800x128xf32, #tpu.memory_space<hbm>> -> memref<128x128xf32, #tpu.memory_space<hbm>>
    %dma_start3A_244 = arith.constant 0 : i32
    %dma_start3A_245 = arith.constant 0 : i32
    %dma_start3A_246 = tpu.memref_slice %arg6[%dma_start3A_232, %dma_start3A_244, %dma_start3A_245] : memref<5x128x128xf32, #tpu.memory_space<vmem>> -> memref<1x128x128xf32, #tpu.memory_space<vmem>>
    %dma_start3A_247 = tpu.memref_squeeze %dma_start3A_246 : memref<1x128x128xf32, #tpu.memory_space<vmem>> -> memref<128x128xf32, #tpu.memory_space<vmem>>
    tpu.enqueue_dma source(%dma_start3A_247 : memref<128x128xf32, #tpu.memory_space<vmem>>) target(%dma_start3A_243 : memref<128x128xf32, #tpu.memory_space<hbm>>) target_semaphore(%dma_start3A_241 : memref<!tpu.dma_semaphore, #tpu.memory_space<semaphore_mem>>)
    %add3A_248 = arith.constant 45 : i32
    %add3A_249 = arith.constant 1 : i32
    %add3A_250 = arith.addi %add3A_248, %add3A_249 : i32
    %mul3A_251 = arith.constant 128 : i32
    %mul3A_252 = arith.muli %add3A_250, %mul3A_251 : i32
    %add3A_253 = arith.constant 0 : i32
    %add3A_254 = arith.addi %mul3A_252, %add3A_253 : i32
    %dma_wait3A_255 = arith.constant 1 : i32
    %dma_wait3A_256 = arith.constant 1 : i32
    %dma_wait3A_257 = arith.constant 0 : i32
    %dma_wait3A_258 = arith.constant 0 : i32
    %dma_wait3A_259 = arith.constant 0 : i32
    %dma_wait3A_260 = tpu.memref_slice %arg6[%dma_wait3A_255, %dma_wait3A_258, %dma_wait3A_259] : memref<5x128x128xf32, #tpu.memory_space<vmem>> -> memref<1x64x128xf32, #tpu.memory_space<vmem>>
    %dma_wait3A_261 = tpu.memref_squeeze %dma_wait3A_260 : memref<1x64x128xf32, #tpu.memory_space<vmem>> -> memref<64x128xf32, #tpu.memory_space<vmem>>
    %dma_wait3A_262 = tpu.memref_slice %arg5[%add3A_254] : memref<6400xi32, #tpu.memory_space<vmem>> -> memref<64xi32, #tpu.memory_space<vmem>>
    %dma_wait3A_263 = arith.constant 0 : i32
    %dma_wait3A_264 = arith.constant 0 : i32
    %dma_wait3A_265 = tpu.memref_slice %arg2[%dma_wait3A_263, %dma_wait3A_264] : memref<100002x128xf32, #tpu.memory_space<hbm>> -> memref<100002x128xf32, #tpu.memory_space<hbm>>
    %dma_wait3A_266 = tpu.memref_slice %arg7[%dma_wait3A_256, %dma_wait3A_257] : memref<5x2x!tpu.dma_semaphore, #tpu.memory_space<semaphore_mem>> -> memref<1x1x!tpu.dma_semaphore, #tpu.memory_space<semaphore_mem>>
    %dma_wait3A_267 = tpu.memref_squeeze %dma_wait3A_266 : memref<1x1x!tpu.dma_semaphore, #tpu.memory_space<semaphore_mem>> -> memref<!tpu.dma_semaphore, #tpu.memory_space<semaphore_mem>>
    tpu.wait_indirect_dma semaphore(%dma_wait3A_267 : memref<!tpu.dma_semaphore, #tpu.memory_space<semaphore_mem>>) src(%dma_wait3A_265 : memref<100002x128xf32, #tpu.memory_space<hbm>>) dst(%dma_wait3A_261 : memref<64x128xf32, #tpu.memory_space<vmem>>)
    %mul3A_268 = arith.constant 128 : i32
    %mul3A_269 = arith.muli %add3A_250, %mul3A_268 : i32
    %add3A_270 = arith.constant 64 : i32
    %add3A_271 = arith.addi %mul3A_269, %add3A_270 : i32
    %dma_wait3A_272 = arith.constant 1 : i32
    %dma_wait3A_273 = arith.constant 1 : i32
    %dma_wait3A_274 = arith.constant 1 : i32
    %dma_wait3A_275 = arith.constant 64 : i32
    %dma_wait3A_276 = arith.constant 0 : i32
    %dma_wait3A_277 = tpu.memref_slice %arg6[%dma_wait3A_272, %dma_wait3A_275, %dma_wait3A_276] : memref<5x128x128xf32, #tpu.memory_space<vmem>> -> memref<1x64x128xf32, #tpu.memory_space<vmem>>
    %dma_wait3A_278 = tpu.memref_squeeze %dma_wait3A_277 : memref<1x64x128xf32, #tpu.memory_space<vmem>> -> memref<64x128xf32, #tpu.memory_space<vmem>>
    %dma_wait3A_279 = tpu.memref_slice %arg5[%add3A_271] : memref<6400xi32, #tpu.memory_space<vmem>> -> memref<64xi32, #tpu.memory_space<vmem>>
    %dma_wait3A_280 = arith.constant 0 : i32
    %dma_wait3A_281 = arith.constant 0 : i32
    %dma_wait3A_282 = tpu.memref_slice %arg2[%dma_wait3A_280, %dma_wait3A_281] : memref<100002x128xf32, #tpu.memory_space<hbm>> -> memref<100002x128xf32, #tpu.memory_space<hbm>>
    %dma_wait3A_283 = tpu.memref_slice %arg7[%dma_wait3A_273, %dma_wait3A_274] : memref<5x2x!tpu.dma_semaphore, #tpu.memory_space<semaphore_mem>> -> memref<1x1x!tpu.dma_semaphore, #tpu.memory_space<semaphore_mem>>
    %dma_wait3A_284 = tpu.memref_squeeze %dma_wait3A_283 : memref<1x1x!tpu.dma_semaphore, #tpu.memory_space<semaphore_mem>> -> memref<!tpu.dma_semaphore, #tpu.memory_space<semaphore_mem>>
    tpu.wait_indirect_dma semaphore(%dma_wait3A_284 : memref<!tpu.dma_semaphore, #tpu.memory_space<semaphore_mem>>) src(%dma_wait3A_282 : memref<100002x128xf32, #tpu.memory_space<hbm>>) dst(%dma_wait3A_278 : memref<64x128xf32, #tpu.memory_space<vmem>>)
    %add3A_285 = arith.constant 45 : i32
    %add3A_286 = arith.constant 1 : i32
    %add3A_287 = arith.addi %add3A_285, %add3A_286 : i32
    %mul3A_288 = arith.constant 128 : i32
    %mul3A_289 = arith.muli %add3A_287, %mul3A_288 : i32
    %add3A_290 = arith.addi %mul3A_2, %mul3A_289 : i32
    %dma_start3A_291 = arith.constant 1 : i32
    %dma_start3A_292 = arith.constant 1 : i32
    %dma_start3A_293 = arith.constant 0 : i32
    %dma_start3A_294 = arith.constant 0 : i32
    %dma_start3A_295 = tpu.memref_slice %arg6[%dma_start3A_291, %dma_start3A_293, %dma_start3A_294] : memref<5x128x128xf32, #tpu.memory_space<vmem>> -> memref<1x128x128xf32, #tpu.memory_space<vmem>>
    %dma_start3A_296 = tpu.memref_squeeze %dma_start3A_295 : memref<1x128x128xf32, #tpu.memory_space<vmem>> -> memref<128x128xf32, #tpu.memory_space<vmem>>
    %dma_start3A_297 = arith.constant 0 : i32
    %dma_start3A_298 = tpu.memref_slice %arg4[%add3A_290, %dma_start3A_297] : memref<204800x128xf32, #tpu.memory_space<hbm>> -> memref<128x128xf32, #tpu.memory_space<hbm>>
    %dma_start3A_299 = tpu.memref_slice %arg8[%dma_start3A_292] : memref<5x!tpu.dma_semaphore, #tpu.memory_space<semaphore_mem>> -> memref<1x!tpu.dma_semaphore, #tpu.memory_space<semaphore_mem>>
    %dma_start3A_300 = tpu.memref_squeeze %dma_start3A_299 : memref<1x!tpu.dma_semaphore, #tpu.memory_space<semaphore_mem>> -> memref<!tpu.dma_semaphore, #tpu.memory_space<semaphore_mem>>
    %dma_start3A_301 = arith.constant 0 : i32
    %dma_start3A_302 = tpu.memref_slice %arg4[%add3A_290, %dma_start3A_301] : memref<204800x128xf32, #tpu.memory_space<hbm>> -> memref<128x128xf32, #tpu.memory_space<hbm>>
    %dma_start3A_303 = arith.constant 0 : i32
    %dma_start3A_304 = arith.constant 0 : i32
    %dma_start3A_305 = tpu.memref_slice %arg6[%dma_start3A_291, %dma_start3A_303, %dma_start3A_304] : memref<5x128x128xf32, #tpu.memory_space<vmem>> -> memref<1x128x128xf32, #tpu.memory_space<vmem>>
    %dma_start3A_306 = tpu.memref_squeeze %dma_start3A_305 : memref<1x128x128xf32, #tpu.memory_space<vmem>> -> memref<128x128xf32, #tpu.memory_space<vmem>>
    tpu.enqueue_dma source(%dma_start3A_306 : memref<128x128xf32, #tpu.memory_space<vmem>>) target(%dma_start3A_302 : memref<128x128xf32, #tpu.memory_space<hbm>>) target_semaphore(%dma_start3A_300 : memref<!tpu.dma_semaphore, #tpu.memory_space<semaphore_mem>>)
    %add3A_307 = arith.constant 45 : i32
    %add3A_308 = arith.constant 2 : i32
    %add3A_309 = arith.addi %add3A_307, %add3A_308 : i32
    %mul3A_310 = arith.constant 128 : i32
    %mul3A_311 = arith.muli %add3A_309, %mul3A_310 : i32
    %add3A_312 = arith.constant 0 : i32
    %add3A_313 = arith.addi %mul3A_311, %add3A_312 : i32
    %dma_wait3A_314 = arith.constant 2 : i32
    %dma_wait3A_315 = arith.constant 2 : i32
    %dma_wait3A_316 = arith.constant 0 : i32
    %dma_wait3A_317 = arith.constant 0 : i32
    %dma_wait3A_318 = arith.constant 0 : i32
    %dma_wait3A_319 = tpu.memref_slice %arg6[%dma_wait3A_314, %dma_wait3A_317, %dma_wait3A_318] : memref<5x128x128xf32, #tpu.memory_space<vmem>> -> memref<1x64x128xf32, #tpu.memory_space<vmem>>
    %dma_wait3A_320 = tpu.memref_squeeze %dma_wait3A_319 : memref<1x64x128xf32, #tpu.memory_space<vmem>> -> memref<64x128xf32, #tpu.memory_space<vmem>>
    %dma_wait3A_321 = tpu.memref_slice %arg5[%add3A_313] : memref<6400xi32, #tpu.memory_space<vmem>> -> memref<64xi32, #tpu.memory_space<vmem>>
    %dma_wait3A_322 = arith.constant 0 : i32
    %dma_wait3A_323 = arith.constant 0 : i32
    %dma_wait3A_324 = tpu.memref_slice %arg2[%dma_wait3A_322, %dma_wait3A_323] : memref<100002x128xf32, #tpu.memory_space<hbm>> -> memref<100002x128xf32, #tpu.memory_space<hbm>>
    %dma_wait3A_325 = tpu.memref_slice %arg7[%dma_wait3A_315, %dma_wait3A_316] : memref<5x2x!tpu.dma_semaphore, #tpu.memory_space<semaphore_mem>> -> memref<1x1x!tpu.dma_semaphore, #tpu.memory_space<semaphore_mem>>
    %dma_wait3A_326 = tpu.memref_squeeze %dma_wait3A_325 : memref<1x1x!tpu.dma_semaphore, #tpu.memory_space<semaphore_mem>> -> memref<!tpu.dma_semaphore, #tpu.memory_space<semaphore_mem>>
    tpu.wait_indirect_dma semaphore(%dma_wait3A_326 : memref<!tpu.dma_semaphore, #tpu.memory_space<semaphore_mem>>) src(%dma_wait3A_324 : memref<100002x128xf32, #tpu.memory_space<hbm>>) dst(%dma_wait3A_320 : memref<64x128xf32, #tpu.memory_space<vmem>>)
    %mul3A_327 = arith.constant 128 : i32
    %mul3A_328 = arith.muli %add3A_309, %mul3A_327 : i32
    %add3A_329 = arith.constant 64 : i32
    %add3A_330 = arith.addi %mul3A_328, %add3A_329 : i32
    %dma_wait3A_331 = arith.constant 2 : i32
    %dma_wait3A_332 = arith.constant 2 : i32
    %dma_wait3A_333 = arith.constant 1 : i32
    %dma_wait3A_334 = arith.constant 64 : i32
    %dma_wait3A_335 = arith.constant 0 : i32
    %dma_wait3A_336 = tpu.memref_slice %arg6[%dma_wait3A_331, %dma_wait3A_334, %dma_wait3A_335] : memref<5x128x128xf32, #tpu.memory_space<vmem>> -> memref<1x64x128xf32, #tpu.memory_space<vmem>>
    %dma_wait3A_337 = tpu.memref_squeeze %dma_wait3A_336 : memref<1x64x128xf32, #tpu.memory_space<vmem>> -> memref<64x128xf32, #tpu.memory_space<vmem>>
    %dma_wait3A_338 = tpu.memref_slice %arg5[%add3A_330] : memref<6400xi32, #tpu.memory_space<vmem>> -> memref<64xi32, #tpu.memory_space<vmem>>
    %dma_wait3A_339 = arith.constant 0 : i32
    %dma_wait3A_340 = arith.constant 0 : i32
    %dma_wait3A_341 = tpu.memref_slice %arg2[%dma_wait3A_339, %dma_wait3A_340] : memref<100002x128xf32, #tpu.memory_space<hbm>> -> memref<100002x128xf32, #tpu.memory_space<hbm>>
    %dma_wait3A_342 = tpu.memref_slice %arg7[%dma_wait3A_332, %dma_wait3A_333] : memref<5x2x!tpu.dma_semaphore, #tpu.memory_space<semaphore_mem>> -> memref<1x1x!tpu.dma_semaphore, #tpu.memory_space<semaphore_mem>>
    %dma_wait3A_343 = tpu.memref_squeeze %dma_wait3A_342 : memref<1x1x!tpu.dma_semaphore, #tpu.memory_space<semaphore_mem>> -> memref<!tpu.dma_semaphore, #tpu.memory_space<semaphore_mem>>
    tpu.wait_indirect_dma semaphore(%dma_wait3A_343 : memref<!tpu.dma_semaphore, #tpu.memory_space<semaphore_mem>>) src(%dma_wait3A_341 : memref<100002x128xf32, #tpu.memory_space<hbm>>) dst(%dma_wait3A_337 : memref<64x128xf32, #tpu.memory_space<vmem>>)
    %add3A_344 = arith.constant 45 : i32
    %add3A_345 = arith.constant 2 : i32
    %add3A_346 = arith.addi %add3A_344, %add3A_345 : i32
    %mul3A_347 = arith.constant 128 : i32
    %mul3A_348 = arith.muli %add3A_346, %mul3A_347 : i32
    %add3A_349 = arith.addi %mul3A_2, %mul3A_348 : i32
    %dma_start3A_350 = arith.constant 2 : i32
    %dma_start3A_351 = arith.constant 2 : i32
    %dma_start3A_352 = arith.constant 0 : i32
    %dma_start3A_353 = arith.constant 0 : i32
    %dma_start3A_354 = tpu.memref_slice %arg6[%dma_start3A_350, %dma_start3A_352, %dma_start3A_353] : memref<5x128x128xf32, #tpu.memory_space<vmem>> -> memref<1x128x128xf32, #tpu.memory_space<vmem>>
    %dma_start3A_355 = tpu.memref_squeeze %dma_start3A_354 : memref<1x128x128xf32, #tpu.memory_space<vmem>> -> memref<128x128xf32, #tpu.memory_space<vmem>>
    %dma_start3A_356 = arith.constant 0 : i32
    %dma_start3A_357 = tpu.memref_slice %arg4[%add3A_349, %dma_start3A_356] : memref<204800x128xf32, #tpu.memory_space<hbm>> -> memref<128x128xf32, #tpu.memory_space<hbm>>
    %dma_start3A_358 = tpu.memref_slice %arg8[%dma_start3A_351] : memref<5x!tpu.dma_semaphore, #tpu.memory_space<semaphore_mem>> -> memref<1x!tpu.dma_semaphore, #tpu.memory_space<semaphore_mem>>
    %dma_start3A_359 = tpu.memref_squeeze %dma_start3A_358 : memref<1x!tpu.dma_semaphore, #tpu.memory_space<semaphore_mem>> -> memref<!tpu.dma_semaphore, #tpu.memory_space<semaphore_mem>>
    %dma_start3A_360 = arith.constant 0 : i32
    %dma_start3A_361 = tpu.memref_slice %arg4[%add3A_349, %dma_start3A_360] : memref<204800x128xf32, #tpu.memory_space<hbm>> -> memref<128x128xf32, #tpu.memory_space<hbm>>
    %dma_start3A_362 = arith.constant 0 : i32
    %dma_start3A_363 = arith.constant 0 : i32
    %dma_start3A_364 = tpu.memref_slice %arg6[%dma_start3A_350, %dma_start3A_362, %dma_start3A_363] : memref<5x128x128xf32, #tpu.memory_space<vmem>> -> memref<1x128x128xf32, #tpu.memory_space<vmem>>
    %dma_start3A_365 = tpu.memref_squeeze %dma_start3A_364 : memref<1x128x128xf32, #tpu.memory_space<vmem>> -> memref<128x128xf32, #tpu.memory_space<vmem>>
    tpu.enqueue_dma source(%dma_start3A_365 : memref<128x128xf32, #tpu.memory_space<vmem>>) target(%dma_start3A_361 : memref<128x128xf32, #tpu.memory_space<hbm>>) target_semaphore(%dma_start3A_359 : memref<!tpu.dma_semaphore, #tpu.memory_space<semaphore_mem>>)
    %add3A_366 = arith.constant 45 : i32
    %add3A_367 = arith.constant 3 : i32
    %add3A_368 = arith.addi %add3A_366, %add3A_367 : i32
    %mul3A_369 = arith.constant 128 : i32
    %mul3A_370 = arith.muli %add3A_368, %mul3A_369 : i32
    %add3A_371 = arith.constant 0 : i32
    %add3A_372 = arith.addi %mul3A_370, %add3A_371 : i32
    %dma_wait3A_373 = arith.constant 3 : i32
    %dma_wait3A_374 = arith.constant 3 : i32
    %dma_wait3A_375 = arith.constant 0 : i32
    %dma_wait3A_376 = arith.constant 0 : i32
    %dma_wait3A_377 = arith.constant 0 : i32
    %dma_wait3A_378 = tpu.memref_slice %arg6[%dma_wait3A_373, %dma_wait3A_376, %dma_wait3A_377] : memref<5x128x128xf32, #tpu.memory_space<vmem>> -> memref<1x64x128xf32, #tpu.memory_space<vmem>>
    %dma_wait3A_379 = tpu.memref_squeeze %dma_wait3A_378 : memref<1x64x128xf32, #tpu.memory_space<vmem>> -> memref<64x128xf32, #tpu.memory_space<vmem>>
    %dma_wait3A_380 = tpu.memref_slice %arg5[%add3A_372] : memref<6400xi32, #tpu.memory_space<vmem>> -> memref<64xi32, #tpu.memory_space<vmem>>
    %dma_wait3A_381 = arith.constant 0 : i32
    %dma_wait3A_382 = arith.constant 0 : i32
    %dma_wait3A_383 = tpu.memref_slice %arg2[%dma_wait3A_381, %dma_wait3A_382] : memref<100002x128xf32, #tpu.memory_space<hbm>> -> memref<100002x128xf32, #tpu.memory_space<hbm>>
    %dma_wait3A_384 = tpu.memref_slice %arg7[%dma_wait3A_374, %dma_wait3A_375] : memref<5x2x!tpu.dma_semaphore, #tpu.memory_space<semaphore_mem>> -> memref<1x1x!tpu.dma_semaphore, #tpu.memory_space<semaphore_mem>>
    %dma_wait3A_385 = tpu.memref_squeeze %dma_wait3A_384 : memref<1x1x!tpu.dma_semaphore, #tpu.memory_space<semaphore_mem>> -> memref<!tpu.dma_semaphore, #tpu.memory_space<semaphore_mem>>
    tpu.wait_indirect_dma semaphore(%dma_wait3A_385 : memref<!tpu.dma_semaphore, #tpu.memory_space<semaphore_mem>>) src(%dma_wait3A_383 : memref<100002x128xf32, #tpu.memory_space<hbm>>) dst(%dma_wait3A_379 : memref<64x128xf32, #tpu.memory_space<vmem>>)
    %mul3A_386 = arith.constant 128 : i32
    %mul3A_387 = arith.muli %add3A_368, %mul3A_386 : i32
    %add3A_388 = arith.constant 64 : i32
    %add3A_389 = arith.addi %mul3A_387, %add3A_388 : i32
    %dma_wait3A_390 = arith.constant 3 : i32
    %dma_wait3A_391 = arith.constant 3 : i32
    %dma_wait3A_392 = arith.constant 1 : i32
    %dma_wait3A_393 = arith.constant 64 : i32
    %dma_wait3A_394 = arith.constant 0 : i32
    %dma_wait3A_395 = tpu.memref_slice %arg6[%dma_wait3A_390, %dma_wait3A_393, %dma_wait3A_394] : memref<5x128x128xf32, #tpu.memory_space<vmem>> -> memref<1x64x128xf32, #tpu.memory_space<vmem>>
    %dma_wait3A_396 = tpu.memref_squeeze %dma_wait3A_395 : memref<1x64x128xf32, #tpu.memory_space<vmem>> -> memref<64x128xf32, #tpu.memory_space<vmem>>
    %dma_wait3A_397 = tpu.memref_slice %arg5[%add3A_389] : memref<6400xi32, #tpu.memory_space<vmem>> -> memref<64xi32, #tpu.memory_space<vmem>>
    %dma_wait3A_398 = arith.constant 0 : i32
    %dma_wait3A_399 = arith.constant 0 : i32
    %dma_wait3A_400 = tpu.memref_slice %arg2[%dma_wait3A_398, %dma_wait3A_399] : memref<100002x128xf32, #tpu.memory_space<hbm>> -> memref<100002x128xf32, #tpu.memory_space<hbm>>
    %dma_wait3A_401 = tpu.memref_slice %arg7[%dma_wait3A_391, %dma_wait3A_392] : memref<5x2x!tpu.dma_semaphore, #tpu.memory_space<semaphore_mem>> -> memref<1x1x!tpu.dma_semaphore, #tpu.memory_space<semaphore_mem>>
    %dma_wait3A_402 = tpu.memref_squeeze %dma_wait3A_401 : memref<1x1x!tpu.dma_semaphore, #tpu.memory_space<semaphore_mem>> -> memref<!tpu.dma_semaphore, #tpu.memory_space<semaphore_mem>>
    tpu.wait_indirect_dma semaphore(%dma_wait3A_402 : memref<!tpu.dma_semaphore, #tpu.memory_space<semaphore_mem>>) src(%dma_wait3A_400 : memref<100002x128xf32, #tpu.memory_space<hbm>>) dst(%dma_wait3A_396 : memref<64x128xf32, #tpu.memory_space<vmem>>)
    %add3A_403 = arith.constant 45 : i32
    %add3A_404 = arith.constant 3 : i32
    %add3A_405 = arith.addi %add3A_403, %add3A_404 : i32
    %mul3A_406 = arith.constant 128 : i32
    %mul3A_407 = arith.muli %add3A_405, %mul3A_406 : i32
    %add3A_408 = arith.addi %mul3A_2, %mul3A_407 : i32
    %dma_start3A_409 = arith.constant 3 : i32
    %dma_start3A_410 = arith.constant 3 : i32
    %dma_start3A_411 = arith.constant 0 : i32
    %dma_start3A_412 = arith.constant 0 : i32
    %dma_start3A_413 = tpu.memref_slice %arg6[%dma_start3A_409, %dma_start3A_411, %dma_start3A_412] : memref<5x128x128xf32, #tpu.memory_space<vmem>> -> memref<1x128x128xf32, #tpu.memory_space<vmem>>
    %dma_start3A_414 = tpu.memref_squeeze %dma_start3A_413 : memref<1x128x128xf32, #tpu.memory_space<vmem>> -> memref<128x128xf32, #tpu.memory_space<vmem>>
    %dma_start3A_415 = arith.constant 0 : i32
    %dma_start3A_416 = tpu.memref_slice %arg4[%add3A_408, %dma_start3A_415] : memref<204800x128xf32, #tpu.memory_space<hbm>> -> memref<128x128xf32, #tpu.memory_space<hbm>>
    %dma_start3A_417 = tpu.memref_slice %arg8[%dma_start3A_410] : memref<5x!tpu.dma_semaphore, #tpu.memory_space<semaphore_mem>> -> memref<1x!tpu.dma_semaphore, #tpu.memory_space<semaphore_mem>>
    %dma_start3A_418 = tpu.memref_squeeze %dma_start3A_417 : memref<1x!tpu.dma_semaphore, #tpu.memory_space<semaphore_mem>> -> memref<!tpu.dma_semaphore, #tpu.memory_space<semaphore_mem>>
    %dma_start3A_419 = arith.constant 0 : i32
    %dma_start3A_420 = tpu.memref_slice %arg4[%add3A_408, %dma_start3A_419] : memref<204800x128xf32, #tpu.memory_space<hbm>> -> memref<128x128xf32, #tpu.memory_space<hbm>>
    %dma_start3A_421 = arith.constant 0 : i32
    %dma_start3A_422 = arith.constant 0 : i32
    %dma_start3A_423 = tpu.memref_slice %arg6[%dma_start3A_409, %dma_start3A_421, %dma_start3A_422] : memref<5x128x128xf32, #tpu.memory_space<vmem>> -> memref<1x128x128xf32, #tpu.memory_space<vmem>>
    %dma_start3A_424 = tpu.memref_squeeze %dma_start3A_423 : memref<1x128x128xf32, #tpu.memory_space<vmem>> -> memref<128x128xf32, #tpu.memory_space<vmem>>
    tpu.enqueue_dma source(%dma_start3A_424 : memref<128x128xf32, #tpu.memory_space<vmem>>) target(%dma_start3A_420 : memref<128x128xf32, #tpu.memory_space<hbm>>) target_semaphore(%dma_start3A_418 : memref<!tpu.dma_semaphore, #tpu.memory_space<semaphore_mem>>)
    %add3A_425 = arith.constant 45 : i32
    %add3A_426 = arith.constant 4 : i32
    %add3A_427 = arith.addi %add3A_425, %add3A_426 : i32
    %mul3A_428 = arith.constant 128 : i32
    %mul3A_429 = arith.muli %add3A_427, %mul3A_428 : i32
    %add3A_430 = arith.constant 0 : i32
    %add3A_431 = arith.addi %mul3A_429, %add3A_430 : i32
    %dma_wait3A_432 = arith.constant 4 : i32
    %dma_wait3A_433 = arith.constant 4 : i32
    %dma_wait3A_434 = arith.constant 0 : i32
    %dma_wait3A_435 = arith.constant 0 : i32
    %dma_wait3A_436 = arith.constant 0 : i32
    %dma_wait3A_437 = tpu.memref_slice %arg6[%dma_wait3A_432, %dma_wait3A_435, %dma_wait3A_436] : memref<5x128x128xf32, #tpu.memory_space<vmem>> -> memref<1x64x128xf32, #tpu.memory_space<vmem>>
    %dma_wait3A_438 = tpu.memref_squeeze %dma_wait3A_437 : memref<1x64x128xf32, #tpu.memory_space<vmem>> -> memref<64x128xf32, #tpu.memory_space<vmem>>
    %dma_wait3A_439 = tpu.memref_slice %arg5[%add3A_431] : memref<6400xi32, #tpu.memory_space<vmem>> -> memref<64xi32, #tpu.memory_space<vmem>>
    %dma_wait3A_440 = arith.constant 0 : i32
    %dma_wait3A_441 = arith.constant 0 : i32
    %dma_wait3A_442 = tpu.memref_slice %arg2[%dma_wait3A_440, %dma_wait3A_441] : memref<100002x128xf32, #tpu.memory_space<hbm>> -> memref<100002x128xf32, #tpu.memory_space<hbm>>
    %dma_wait3A_443 = tpu.memref_slice %arg7[%dma_wait3A_433, %dma_wait3A_434] : memref<5x2x!tpu.dma_semaphore, #tpu.memory_space<semaphore_mem>> -> memref<1x1x!tpu.dma_semaphore, #tpu.memory_space<semaphore_mem>>
    %dma_wait3A_444 = tpu.memref_squeeze %dma_wait3A_443 : memref<1x1x!tpu.dma_semaphore, #tpu.memory_space<semaphore_mem>> -> memref<!tpu.dma_semaphore, #tpu.memory_space<semaphore_mem>>
    tpu.wait_indirect_dma semaphore(%dma_wait3A_444 : memref<!tpu.dma_semaphore, #tpu.memory_space<semaphore_mem>>) src(%dma_wait3A_442 : memref<100002x128xf32, #tpu.memory_space<hbm>>) dst(%dma_wait3A_438 : memref<64x128xf32, #tpu.memory_space<vmem>>)
    %mul3A_445 = arith.constant 128 : i32
    %mul3A_446 = arith.muli %add3A_427, %mul3A_445 : i32
    %add3A_447 = arith.constant 64 : i32
    %add3A_448 = arith.addi %mul3A_446, %add3A_447 : i32
    %dma_wait3A_449 = arith.constant 4 : i32
    %dma_wait3A_450 = arith.constant 4 : i32
    %dma_wait3A_451 = arith.constant 1 : i32
    %dma_wait3A_452 = arith.constant 64 : i32
    %dma_wait3A_453 = arith.constant 0 : i32
    %dma_wait3A_454 = tpu.memref_slice %arg6[%dma_wait3A_449, %dma_wait3A_452, %dma_wait3A_453] : memref<5x128x128xf32, #tpu.memory_space<vmem>> -> memref<1x64x128xf32, #tpu.memory_space<vmem>>
    %dma_wait3A_455 = tpu.memref_squeeze %dma_wait3A_454 : memref<1x64x128xf32, #tpu.memory_space<vmem>> -> memref<64x128xf32, #tpu.memory_space<vmem>>
    %dma_wait3A_456 = tpu.memref_slice %arg5[%add3A_448] : memref<6400xi32, #tpu.memory_space<vmem>> -> memref<64xi32, #tpu.memory_space<vmem>>
    %dma_wait3A_457 = arith.constant 0 : i32
    %dma_wait3A_458 = arith.constant 0 : i32
    %dma_wait3A_459 = tpu.memref_slice %arg2[%dma_wait3A_457, %dma_wait3A_458] : memref<100002x128xf32, #tpu.memory_space<hbm>> -> memref<100002x128xf32, #tpu.memory_space<hbm>>
    %dma_wait3A_460 = tpu.memref_slice %arg7[%dma_wait3A_450, %dma_wait3A_451] : memref<5x2x!tpu.dma_semaphore, #tpu.memory_space<semaphore_mem>> -> memref<1x1x!tpu.dma_semaphore, #tpu.memory_space<semaphore_mem>>
    %dma_wait3A_461 = tpu.memref_squeeze %dma_wait3A_460 : memref<1x1x!tpu.dma_semaphore, #tpu.memory_space<semaphore_mem>> -> memref<!tpu.dma_semaphore, #tpu.memory_space<semaphore_mem>>
    tpu.wait_indirect_dma semaphore(%dma_wait3A_461 : memref<!tpu.dma_semaphore, #tpu.memory_space<semaphore_mem>>) src(%dma_wait3A_459 : memref<100002x128xf32, #tpu.memory_space<hbm>>) dst(%dma_wait3A_455 : memref<64x128xf32, #tpu.memory_space<vmem>>)
    %add3A_462 = arith.constant 45 : i32
    %add3A_463 = arith.constant 4 : i32
    %add3A_464 = arith.addi %add3A_462, %add3A_463 : i32
    %mul3A_465 = arith.constant 128 : i32
    %mul3A_466 = arith.muli %add3A_464, %mul3A_465 : i32
    %add3A_467 = arith.addi %mul3A_2, %mul3A_466 : i32
    %dma_start3A_468 = arith.constant 4 : i32
    %dma_start3A_469 = arith.constant 4 : i32
    %dma_start3A_470 = arith.constant 0 : i32
    %dma_start3A_471 = arith.constant 0 : i32
    %dma_start3A_472 = tpu.memref_slice %arg6[%dma_start3A_468, %dma_start3A_470, %dma_start3A_471] : memref<5x128x128xf32, #tpu.memory_space<vmem>> -> memref<1x128x128xf32, #tpu.memory_space<vmem>>
    %dma_start3A_473 = tpu.memref_squeeze %dma_start3A_472 : memref<1x128x128xf32, #tpu.memory_space<vmem>> -> memref<128x128xf32, #tpu.memory_space<vmem>>
    %dma_start3A_474 = arith.constant 0 : i32
    %dma_start3A_475 = tpu.memref_slice %arg4[%add3A_467, %dma_start3A_474] : memref<204800x128xf32, #tpu.memory_space<hbm>> -> memref<128x128xf32, #tpu.memory_space<hbm>>
    %dma_start3A_476 = tpu.memref_slice %arg8[%dma_start3A_469] : memref<5x!tpu.dma_semaphore, #tpu.memory_space<semaphore_mem>> -> memref<1x!tpu.dma_semaphore, #tpu.memory_space<semaphore_mem>>
    %dma_start3A_477 = tpu.memref_squeeze %dma_start3A_476 : memref<1x!tpu.dma_semaphore, #tpu.memory_space<semaphore_mem>> -> memref<!tpu.dma_semaphore, #tpu.memory_space<semaphore_mem>>
    %dma_start3A_478 = arith.constant 0 : i32
    %dma_start3A_479 = tpu.memref_slice %arg4[%add3A_467, %dma_start3A_478] : memref<204800x128xf32, #tpu.memory_space<hbm>> -> memref<128x128xf32, #tpu.memory_space<hbm>>
    %dma_start3A_480 = arith.constant 0 : i32
    %dma_start3A_481 = arith.constant 0 : i32
    %dma_start3A_482 = tpu.memref_slice %arg6[%dma_start3A_468, %dma_start3A_480, %dma_start3A_481] : memref<5x128x128xf32, #tpu.memory_space<vmem>> -> memref<1x128x128xf32, #tpu.memory_space<vmem>>
    %dma_start3A_483 = tpu.memref_squeeze %dma_start3A_482 : memref<1x128x128xf32, #tpu.memory_space<vmem>> -> memref<128x128xf32, #tpu.memory_space<vmem>>
    tpu.enqueue_dma source(%dma_start3A_483 : memref<128x128xf32, #tpu.memory_space<vmem>>) target(%dma_start3A_479 : memref<128x128xf32, #tpu.memory_space<hbm>>) target_semaphore(%dma_start3A_477 : memref<!tpu.dma_semaphore, #tpu.memory_space<semaphore_mem>>)
    %add3A_484 = arith.constant 45 : i32
    %add3A_485 = arith.constant 0 : i32
    %add3A_486 = arith.addi %add3A_484, %add3A_485 : i32
    %mul3A_487 = arith.constant 128 : i32
    %mul3A_488 = arith.muli %add3A_486, %mul3A_487 : i32
    %add3A_489 = arith.addi %mul3A_2, %mul3A_488 : i32
    %dma_wait3A_490 = arith.constant 0 : i32
    %dma_wait3A_491 = arith.constant 0 : i32
    %dma_wait3A_492 = arith.constant 0 : i32
    %dma_wait3A_493 = arith.constant 0 : i32
    %dma_wait3A_494 = tpu.memref_slice %arg6[%dma_wait3A_490, %dma_wait3A_492, %dma_wait3A_493] : memref<5x128x128xf32, #tpu.memory_space<vmem>> -> memref<1x128x128xf32, #tpu.memory_space<vmem>>
    %dma_wait3A_495 = tpu.memref_squeeze %dma_wait3A_494 : memref<1x128x128xf32, #tpu.memory_space<vmem>> -> memref<128x128xf32, #tpu.memory_space<vmem>>
    %dma_wait3A_496 = arith.constant 0 : i32
    %dma_wait3A_497 = tpu.memref_slice %arg4[%add3A_489, %dma_wait3A_496] : memref<204800x128xf32, #tpu.memory_space<hbm>> -> memref<128x128xf32, #tpu.memory_space<hbm>>
    %dma_wait3A_498 = tpu.memref_slice %arg8[%dma_wait3A_491] : memref<5x!tpu.dma_semaphore, #tpu.memory_space<semaphore_mem>> -> memref<1x!tpu.dma_semaphore, #tpu.memory_space<semaphore_mem>>
    %dma_wait3A_499 = tpu.memref_squeeze %dma_wait3A_498 : memref<1x!tpu.dma_semaphore, #tpu.memory_space<semaphore_mem>> -> memref<!tpu.dma_semaphore, #tpu.memory_space<semaphore_mem>>
    %dma_wait3A_500 = arith.constant 0 : i32
    %dma_wait3A_501 = tpu.memref_slice %arg4[%add3A_489, %dma_wait3A_500] : memref<204800x128xf32, #tpu.memory_space<hbm>> -> memref<128x128xf32, #tpu.memory_space<hbm>>
    %dma_wait3A_502 = arith.constant 0 : i32
    %dma_wait3A_503 = arith.constant 0 : i32
    %dma_wait3A_504 = tpu.memref_slice %arg6[%dma_wait3A_490, %dma_wait3A_502, %dma_wait3A_503] : memref<5x128x128xf32, #tpu.memory_space<vmem>> -> memref<1x128x128xf32, #tpu.memory_space<vmem>>
    %dma_wait3A_505 = tpu.memref_squeeze %dma_wait3A_504 : memref<1x128x128xf32, #tpu.memory_space<vmem>> -> memref<128x128xf32, #tpu.memory_space<vmem>>
    tpu.wait_dma2 semaphore(%dma_wait3A_499 : memref<!tpu.dma_semaphore, #tpu.memory_space<semaphore_mem>>) src(%dma_wait3A_505 : memref<128x128xf32, #tpu.memory_space<vmem>>) dst(%dma_wait3A_501 : memref<128x128xf32, #tpu.memory_space<hbm>>)
    %add3A_506 = arith.constant 45 : i32
    %add3A_507 = arith.constant 1 : i32
    %add3A_508 = arith.addi %add3A_506, %add3A_507 : i32
    %mul3A_509 = arith.constant 128 : i32
    %mul3A_510 = arith.muli %add3A_508, %mul3A_509 : i32
    %add3A_511 = arith.addi %mul3A_2, %mul3A_510 : i32
    %dma_wait3A_512 = arith.constant 1 : i32
    %dma_wait3A_513 = arith.constant 1 : i32
    %dma_wait3A_514 = arith.constant 0 : i32
    %dma_wait3A_515 = arith.constant 0 : i32
    %dma_wait3A_516 = tpu.memref_slice %arg6[%dma_wait3A_512, %dma_wait3A_514, %dma_wait3A_515] : memref<5x128x128xf32, #tpu.memory_space<vmem>> -> memref<1x128x128xf32, #tpu.memory_space<vmem>>
    %dma_wait3A_517 = tpu.memref_squeeze %dma_wait3A_516 : memref<1x128x128xf32, #tpu.memory_space<vmem>> -> memref<128x128xf32, #tpu.memory_space<vmem>>
    %dma_wait3A_518 = arith.constant 0 : i32
    %dma_wait3A_519 = tpu.memref_slice %arg4[%add3A_511, %dma_wait3A_518] : memref<204800x128xf32, #tpu.memory_space<hbm>> -> memref<128x128xf32, #tpu.memory_space<hbm>>
    %dma_wait3A_520 = tpu.memref_slice %arg8[%dma_wait3A_513] : memref<5x!tpu.dma_semaphore, #tpu.memory_space<semaphore_mem>> -> memref<1x!tpu.dma_semaphore, #tpu.memory_space<semaphore_mem>>
    %dma_wait3A_521 = tpu.memref_squeeze %dma_wait3A_520 : memref<1x!tpu.dma_semaphore, #tpu.memory_space<semaphore_mem>> -> memref<!tpu.dma_semaphore, #tpu.memory_space<semaphore_mem>>
    %dma_wait3A_522 = arith.constant 0 : i32
    %dma_wait3A_523 = tpu.memref_slice %arg4[%add3A_511, %dma_wait3A_522] : memref<204800x128xf32, #tpu.memory_space<hbm>> -> memref<128x128xf32, #tpu.memory_space<hbm>>
    %dma_wait3A_524 = arith.constant 0 : i32
    %dma_wait3A_525 = arith.constant 0 : i32
    %dma_wait3A_526 = tpu.memref_slice %arg6[%dma_wait3A_512, %dma_wait3A_524, %dma_wait3A_525] : memref<5x128x128xf32, #tpu.memory_space<vmem>> -> memref<1x128x128xf32, #tpu.memory_space<vmem>>
    %dma_wait3A_527 = tpu.memref_squeeze %dma_wait3A_526 : memref<1x128x128xf32, #tpu.memory_space<vmem>> -> memref<128x128xf32, #tpu.memory_space<vmem>>
    tpu.wait_dma2 semaphore(%dma_wait3A_521 : memref<!tpu.dma_semaphore, #tpu.memory_space<semaphore_mem>>) src(%dma_wait3A_527 : memref<128x128xf32, #tpu.memory_space<vmem>>) dst(%dma_wait3A_523 : memref<128x128xf32, #tpu.memory_space<hbm>>)
    %add3A_528 = arith.constant 45 : i32
    %add3A_529 = arith.constant 2 : i32
    %add3A_530 = arith.addi %add3A_528, %add3A_529 : i32
    %mul3A_531 = arith.constant 128 : i32
    %mul3A_532 = arith.muli %add3A_530, %mul3A_531 : i32
    %add3A_533 = arith.addi %mul3A_2, %mul3A_532 : i32
    %dma_wait3A_534 = arith.constant 2 : i32
    %dma_wait3A_535 = arith.constant 2 : i32
    %dma_wait3A_536 = arith.constant 0 : i32
    %dma_wait3A_537 = arith.constant 0 : i32
    %dma_wait3A_538 = tpu.memref_slice %arg6[%dma_wait3A_534, %dma_wait3A_536, %dma_wait3A_537] : memref<5x128x128xf32, #tpu.memory_space<vmem>> -> memref<1x128x128xf32, #tpu.memory_space<vmem>>
    %dma_wait3A_539 = tpu.memref_squeeze %dma_wait3A_538 : memref<1x128x128xf32, #tpu.memory_space<vmem>> -> memref<128x128xf32, #tpu.memory_space<vmem>>
    %dma_wait3A_540 = arith.constant 0 : i32
    %dma_wait3A_541 = tpu.memref_slice %arg4[%add3A_533, %dma_wait3A_540] : memref<204800x128xf32, #tpu.memory_space<hbm>> -> memref<128x128xf32, #tpu.memory_space<hbm>>
    %dma_wait3A_542 = tpu.memref_slice %arg8[%dma_wait3A_535] : memref<5x!tpu.dma_semaphore, #tpu.memory_space<semaphore_mem>> -> memref<1x!tpu.dma_semaphore, #tpu.memory_space<semaphore_mem>>
    %dma_wait3A_543 = tpu.memref_squeeze %dma_wait3A_542 : memref<1x!tpu.dma_semaphore, #tpu.memory_space<semaphore_mem>> -> memref<!tpu.dma_semaphore, #tpu.memory_space<semaphore_mem>>
    %dma_wait3A_544 = arith.constant 0 : i32
    %dma_wait3A_545 = tpu.memref_slice %arg4[%add3A_533, %dma_wait3A_544] : memref<204800x128xf32, #tpu.memory_space<hbm>> -> memref<128x128xf32, #tpu.memory_space<hbm>>
    %dma_wait3A_546 = arith.constant 0 : i32
    %dma_wait3A_547 = arith.constant 0 : i32
    %dma_wait3A_548 = tpu.memref_slice %arg6[%dma_wait3A_534, %dma_wait3A_546, %dma_wait3A_547] : memref<5x128x128xf32, #tpu.memory_space<vmem>> -> memref<1x128x128xf32, #tpu.memory_space<vmem>>
    %dma_wait3A_549 = tpu.memref_squeeze %dma_wait3A_548 : memref<1x128x128xf32, #tpu.memory_space<vmem>> -> memref<128x128xf32, #tpu.memory_space<vmem>>
    tpu.wait_dma2 semaphore(%dma_wait3A_543 : memref<!tpu.dma_semaphore, #tpu.memory_space<semaphore_mem>>) src(%dma_wait3A_549 : memref<128x128xf32, #tpu.memory_space<vmem>>) dst(%dma_wait3A_545 : memref<128x128xf32, #tpu.memory_space<hbm>>)
    %add3A_550 = arith.constant 45 : i32
    %add3A_551 = arith.constant 3 : i32
    %add3A_552 = arith.addi %add3A_550, %add3A_551 : i32
    %mul3A_553 = arith.constant 128 : i32
    %mul3A_554 = arith.muli %add3A_552, %mul3A_553 : i32
    %add3A_555 = arith.addi %mul3A_2, %mul3A_554 : i32
    %dma_wait3A_556 = arith.constant 3 : i32
    %dma_wait3A_557 = arith.constant 3 : i32
    %dma_wait3A_558 = arith.constant 0 : i32
    %dma_wait3A_559 = arith.constant 0 : i32
    %dma_wait3A_560 = tpu.memref_slice %arg6[%dma_wait3A_556, %dma_wait3A_558, %dma_wait3A_559] : memref<5x128x128xf32, #tpu.memory_space<vmem>> -> memref<1x128x128xf32, #tpu.memory_space<vmem>>
    %dma_wait3A_561 = tpu.memref_squeeze %dma_wait3A_560 : memref<1x128x128xf32, #tpu.memory_space<vmem>> -> memref<128x128xf32, #tpu.memory_space<vmem>>
    %dma_wait3A_562 = arith.constant 0 : i32
    %dma_wait3A_563 = tpu.memref_slice %arg4[%add3A_555, %dma_wait3A_562] : memref<204800x128xf32, #tpu.memory_space<hbm>> -> memref<128x128xf32, #tpu.memory_space<hbm>>
    %dma_wait3A_564 = tpu.memref_slice %arg8[%dma_wait3A_557] : memref<5x!tpu.dma_semaphore, #tpu.memory_space<semaphore_mem>> -> memref<1x!tpu.dma_semaphore, #tpu.memory_space<semaphore_mem>>
    %dma_wait3A_565 = tpu.memref_squeeze %dma_wait3A_564 : memref<1x!tpu.dma_semaphore, #tpu.memory_space<semaphore_mem>> -> memref<!tpu.dma_semaphore, #tpu.memory_space<semaphore_mem>>
    %dma_wait3A_566 = arith.constant 0 : i32
    %dma_wait3A_567 = tpu.memref_slice %arg4[%add3A_555, %dma_wait3A_566] : memref<204800x128xf32, #tpu.memory_space<hbm>> -> memref<128x128xf32, #tpu.memory_space<hbm>>
    %dma_wait3A_568 = arith.constant 0 : i32
    %dma_wait3A_569 = arith.constant 0 : i32
    %dma_wait3A_570 = tpu.memref_slice %arg6[%dma_wait3A_556, %dma_wait3A_568, %dma_wait3A_569] : memref<5x128x128xf32, #tpu.memory_space<vmem>> -> memref<1x128x128xf32, #tpu.memory_space<vmem>>
    %dma_wait3A_571 = tpu.memref_squeeze %dma_wait3A_570 : memref<1x128x128xf32, #tpu.memory_space<vmem>> -> memref<128x128xf32, #tpu.memory_space<vmem>>
    tpu.wait_dma2 semaphore(%dma_wait3A_565 : memref<!tpu.dma_semaphore, #tpu.memory_space<semaphore_mem>>) src(%dma_wait3A_571 : memref<128x128xf32, #tpu.memory_space<vmem>>) dst(%dma_wait3A_567 : memref<128x128xf32, #tpu.memory_space<hbm>>)
    %add3A_572 = arith.constant 45 : i32
    %add3A_573 = arith.constant 4 : i32
    %add3A_574 = arith.addi %add3A_572, %add3A_573 : i32
    %mul3A_575 = arith.constant 128 : i32
    %mul3A_576 = arith.muli %add3A_574, %mul3A_575 : i32
    %add3A_577 = arith.addi %mul3A_2, %mul3A_576 : i32
    %dma_wait3A_578 = arith.constant 4 : i32
    %dma_wait3A_579 = arith.constant 4 : i32
    %dma_wait3A_580 = arith.constant 0 : i32
    %dma_wait3A_581 = arith.constant 0 : i32
    %dma_wait3A_582 = tpu.memref_slice %arg6[%dma_wait3A_578, %dma_wait3A_580, %dma_wait3A_581] : memref<5x128x128xf32, #tpu.memory_space<vmem>> -> memref<1x128x128xf32, #tpu.memory_space<vmem>>
    %dma_wait3A_583 = tpu.memref_squeeze %dma_wait3A_582 : memref<1x128x128xf32, #tpu.memory_space<vmem>> -> memref<128x128xf32, #tpu.memory_space<vmem>>
    %dma_wait3A_584 = arith.constant 0 : i32
    %dma_wait3A_585 = tpu.memref_slice %arg4[%add3A_577, %dma_wait3A_584] : memref<204800x128xf32, #tpu.memory_space<hbm>> -> memref<128x128xf32, #tpu.memory_space<hbm>>
    %dma_wait3A_586 = tpu.memref_slice %arg8[%dma_wait3A_579] : memref<5x!tpu.dma_semaphore, #tpu.memory_space<semaphore_mem>> -> memref<1x!tpu.dma_semaphore, #tpu.memory_space<semaphore_mem>>
    %dma_wait3A_587 = tpu.memref_squeeze %dma_wait3A_586 : memref<1x!tpu.dma_semaphore, #tpu.memory_space<semaphore_mem>> -> memref<!tpu.dma_semaphore, #tpu.memory_space<semaphore_mem>>
    %dma_wait3A_588 = arith.constant 0 : i32
    %dma_wait3A_589 = tpu.memref_slice %arg4[%add3A_577, %dma_wait3A_588] : memref<204800x128xf32, #tpu.memory_space<hbm>> -> memref<128x128xf32, #tpu.memory_space<hbm>>
    %dma_wait3A_590 = arith.constant 0 : i32
    %dma_wait3A_591 = arith.constant 0 : i32
    %dma_wait3A_592 = tpu.memref_slice %arg6[%dma_wait3A_578, %dma_wait3A_590, %dma_wait3A_591] : memref<5x128x128xf32, #tpu.memory_space<vmem>> -> memref<1x128x128xf32, #tpu.memory_space<vmem>>
    %dma_wait3A_593 = tpu.memref_squeeze %dma_wait3A_592 : memref<1x128x128xf32, #tpu.memory_space<vmem>> -> memref<128x128xf32, #tpu.memory_space<vmem>>
    tpu.wait_dma2 semaphore(%dma_wait3A_587 : memref<!tpu.dma_semaphore, #tpu.memory_space<semaphore_mem>>) src(%dma_wait3A_593 : memref<128x128xf32, #tpu.memory_space<vmem>>) dst(%dma_wait3A_589 : memref<128x128xf32, #tpu.memory_space<hbm>>)
    return
  }
}

</mosaic_0001>

<sc_bundles>
// kernel: kernel.3.cloned.1.call-start
scs
__scs_entry_jumppad:
0x0: {  	(pc) =	sbr.rel $0x88, $3  }
0x1: {  	(tag) =	ssettag $0x0;
	lr =	simm.s32 $0x1  }
0x2: {  	[smem:$0x3F9F] =	sst lr;
	_ =	strace $0xD0000000  }
0x3: {  	_ = 	snop  }
0x4: {  	_ = 	snop  }
0x5: {  	_ = 	snop  }
0x6: {  	_ = 	snop  }
0x7: {  	_ = 	snop  }
__scs_overlays_trampoline_lowered:
0x8: {  	[smem:$0x3FAE] =	sst s0  }
0x9: {  	[smem:$0x3FAF] =	sst s1  }
0xa: {  	[smem:$0x3FB0] =	sst s2  }
0xb: {  	[smem:$0x3FB1] =	sst s3  }
0xc: {  	[smem:$0x3FB2] =	sst s4  }
0xd: {  	[smem:$0x3FB3] =	sst s5  }
0xe: {  	[smem:$0x3FB4] =	sst s6  }
0xf: {  	[smem:$0x3FB5] =	sst s7  }
0x10: {  	[smem:$0x3FB6] =	sst s8  }
0x11: {  	[smem:$0x3FB7] =	sst s9;
	s0 =	simm.s32 @!p0 $0x0  }
0x12: {  	s1 =	sld [smem:$0x3F9D];
	s0 =	simm.s32 @p0 $0x1  }
0x13: {  	[smem:$0x3FB8] =	sst s0;
	s0 =	simm.s32 @!p1 $0x0  }
0x14: {  	s2 =	sld [smem:$0x3F9C];
	s0 =	simm.s32 @p1 $0x1  }
0x15: {  	[smem:$0x3FB9] =	sst s0;
	s0 =	simm.s32 @!p2 $0x0  }
0x16: {  	s3 =	sld [smem:$0x3FDB];
	s0 =	simm.s32 @p2 $0x1  }
0x17: {  	s4 =	simm.s32 $0x1BF5;
	[smem:$0x3FBB] =	sst s0  }
0x18: {  	s0 =	sld [smem:$0x3F9E];
	_ =	swait.ge [sflag:s4], $0x0  }
0x19: {  	s7 =	sld [smem:$0x3F9F]  }
0x1a: {  	s8 =	sadd.s32 $0xFFFFE003, lr  }
0x1b: {  	s9 =	sadd.s32 $0xFFFFFEF7, lr;
	s5 =	simm.s32 $0xFFFFFFFF;
	p2 =	slt.u32 s8, $0xFFFFF086  }
0x1c: {  	p1 =	slt.u32 s9, $0xF7A;
	s5 =	simm.s32 @!p2 $0x0  }
0x1d: {  	s5 =	simm.s32 @p1 $0x1;
	p0 =	seq.s32 s7, s2  }
0x1e: {  	s7 =	smul.u32 @!p0 $0xF7A, s2;
	p2 =	seq.s32 @!p0 s5, $0x0  }
0x1f: {  	s9 =	smul.u32 $0xF7A, s1;
	s8 =	simm.s32 @!p0 $0x1BF5;
	p2 =	por !p2, p0  }
0x20: {  	[sflag:s8] =	ssyncset.s32 @!p0 $0xFFFFF086;
	s6 =	sadd.s32 @!p0 s3, s7;
	s7 =	simm.s32 @!p0 $0x108  }
0x21: {  	s3 =	sadd.s32 s3, s9;
	s6 =	sadd.s32 @!p0 $0x88, s6;
	s7 =	simm.s32 @p2 $0x1082  }
0x22: {  	[simem:s7], [sflag:s8] =	dma.local @!p0 [hbm:s6], $0xF7A  }
0x23: {  	s9 =	sor.u32 $0xD0000000, s2;
	s6 =	simm.s32 $0x108;
	_ =	swait.ge @!p0 [sflag:s8], $0x0  }
0x24: {  	s3 =	sadd.s32 $0x88, s3;
	s6 =	simm.s32 @!p1 $0x1082;
	[sflag:s4] =	ssyncset.s32 $0xFFFFF086  }
0x25: {  	[simem:s6], [sflag:s4] =	dma.local [hbm:s3], $0xF7A  }
0x26: {  	[smem:$0x3F9F] =	sst s1;
	(tag) =	ssettag s2;
	_ =	strace s9  }
0x27: {  	s1 =	sld [smem:$0x3FAF]  }
0x28: {  	s2 =	sld [smem:$0x3FB0]  }
0x29: {  	s4 =	sld [smem:$0x3FB2]  }
0x2a: {  	p0 =	seq.s32 s5, $0x0;
	s5 =	sld [smem:$0x3FB3]  }
0x2b: {  	s6 =	sld [smem:$0x3FB4]  }
0x2c: {  	s7 =	sld [smem:$0x3FB5]  }
0x2d: {  	s3 =	simm.s32 $0x108;
	s8 =	sld [smem:$0x3FB6]  }
0x2e: {  	s3 =	simm.s32 @!p0 $0x1082;
	s9 =	sld [smem:$0x3FB7]  }
0x2f: {  	lr =	sadd.s32 s0, s3;
	s0 =	sld [smem:$0x3FAE]  }
0x30: {  	s3 =	sld [smem:$0x3FB1]  }
0x31: {  	[smem:$0x3FBA] =	sst s10  }
0x32: {  	s10 =	sld [smem:$0x3FB8];
	_ =	sdelay $0x3  }
0x33: {  	p0 =	seq.s32 s10, $0x1;
	s10 =	sld [smem:$0x3FBA];
	_ =	sdelay $0x3  }
0x34: {  	[smem:$0x3FBA] =	sst s10  }
0x35: {  	s10 =	sld [smem:$0x3FB9];
	_ =	sdelay $0x3  }
0x36: {  	p1 =	seq.s32 s10, $0x1;
	s10 =	sld [smem:$0x3FBA];
	_ =	sdelay $0x3  }
0x37: {  	[smem:$0x3FBA] =	sst s10  }
0x38: {  	s10 =	sld [smem:$0x3FBB]  }
0x39: {  	_ = 	snop;
	(pc) =	sbr.ind lr, $3  }
0x3a: {  	_ = 	snop  }
0x3b: {  	_ = 	snop  }
0x3c: {  	p2 =	seq.s32 s10, $0x1;
	s10 =	sld [smem:$0x3FBA]  }
0x3d: {  	_ =	shalt  }
0x3e: {  	_ =	shalt  }
0x3f: {  	_ =	shalt  }
0x40: {  	_ =	shalt  }
0x41: {  	_ =	shalt  }
0x42: {  	_ =	shalt  }
0x43: {  	_ =	shalt  }
0x44: {  	_ =	shalt  }
0x45: {  	_ =	shalt  }
0x46: {  	_ =	shalt  }
0x47: {  	_ =	shalt  }
0x48: {  	_ =	shalt  }
0x49: {  	_ =	shalt  }
0x4a: {  	_ =	shalt  }
0x4b: {  	_ =	shalt  }
0x4c: {  	_ =	shalt  }
0x4d: {  	_ =	shalt  }
0x4e: {  	_ =	shalt  }
0x4f: {  	_ =	shalt  }
0x50: {  	_ =	shalt  }
0x51: {  	_ =	shalt  }
0x52: {  	_ =	shalt  }
0x53: {  	_ =	shalt  }
0x54: {  	_ =	shalt  }
0x55: {  	_ =	shalt  }
0x56: {  	_ =	shalt  }
0x57: {  	_ =	shalt  }
0x58: {  	_ =	shalt  }
0x59: {  	_ =	shalt  }
0x5a: {  	_ =	shalt  }
0x5b: {  	_ =	shalt  }
0x5c: {  	_ =	shalt  }
0x5d: {  	_ =	shalt  }
0x5e: {  	_ =	shalt  }
0x5f: {  	_ =	shalt  }
0x60: {  	_ =	shalt  }
0x61: {  	_ =	shalt  }
0x62: {  	_ =	shalt  }
0x63: {  	_ =	shalt  }
0x64: {  	_ =	shalt  }
0x65: {  	_ =	shalt  }
0x66: {  	_ =	shalt  }
0x67: {  	_ =	shalt  }
0x68: {  	_ =	shalt  }
0x69: {  	_ =	shalt  }
0x6a: {  	_ =	shalt  }
0x6b: {  	_ =	shalt  }
0x6c: {  	_ =	shalt  }
0x6d: {  	_ =	shalt  }
0x6e: {  	_ =	shalt  }
0x6f: {  	_ =	shalt  }
0x70: {  	_ =	shalt  }
0x71: {  	_ =	shalt  }
0x72: {  	_ =	shalt  }
0x73: {  	_ =	shalt  }
0x74: {  	_ =	shalt  }
0x75: {  	_ =	shalt  }
0x76: {  	_ =	shalt  }
0x77: {  	_ =	shalt  }
0x78: {  	_ =	shalt  }
0x79: {  	_ =	shalt  }
0x7a: {  	_ =	shalt  }
0x7b: {  	_ =	shalt  }
0x7c: {  	_ =	shalt  }
0x7d: {  	_ =	shalt  }
0x7e: {  	_ =	shalt  }
0x7f: {  	_ =	shalt  }
0x80: {  	_ =	shalt  }
0x81: {  	_ =	shalt  }
0x82: {  	_ =	shalt  }
0x83: {  	_ =	shalt  }
0x84: {  	_ =	shalt  }
0x85: {  	_ =	shalt  }
0x86: {  	_ =	shalt  }
0x87: {  	_ =	shalt  }
.Lfunc_end0:
.L_simem_size_0:
called_computation_lowered:
.L_overlay_start_0:
0x88: {  	s2 =	sld [smem:$0x3FD9]  }
0x89: {  	s3 =	sld [smem:$0x3FFE];
	_ =	sdelay $0x1  }
0x8a: {  	s1 =	srdreg.scid  }
0x8b: {  	s0 =	sand.u32 $0x1, s1  }
0x8c: {  	s17 =	sshll.u32 s0, $0xA;
	s2 =	sadd.s32 s3, s2  }
0x8d: {  	s2 =	sadd.s32 s2, s17  }
0x8e: {  	[smem:$0x3FC6] =	sst s2  }
0x8f: {  	_ = 	snop  }
0x90: {  	s2 =	sld [smem:$0x3FC8]  }
0x91: {  	s18 =	sld [smem:$0x3FD0];
	(tm) =	ssettm $0x1  }
0x92: {  	s4 =	sld [smem:$0x3FFB];
	_ =	sdelay $0x3  }
0x93: {  	_ =	strace s4  }
0x94: {  	s4 =	sld [smem:$0x3FFC];
	_ =	sdelay $0x3  }
0x95: {  	_ =	strace s4  }
0x96: {  	s4 =	sld [smem:$0x3FFD];
	_ =	sdelay $0x3  }
0x97: {  	_ =	strace s4  }
0x98: {  	_ =	strace $0x8FFFFFFF  }
0x99: {  	s19 =	sld [smem:$0x3FDB];
	_ =	sdelay $0x1  }
0x9a: {  	s5 =	simm.s32 $_scs_section_size  }
0x9b: {  	s6 =	simm.s32 $_size__tile_overlayer_lowered;
	s7 =	simm.s32 $_tile_overlayer_lowered  }
0x9c: {  	s22 =	simm.s32 $0x1BFF;
	s21 =	sshll.u32 s7, $0x1;
	s4 =	sadd.s32 s5, s19  }
0x9d: {  	s8 =	simm.s32 $0x0;
	s20 =	sshll.u32 s6, $0x1;
	s6 =	sadd.s32 s21, s4  }
0x9e: {  	[timem:s8], [sflag:s22] =	dma.local [hbm:s6], s20  }
0x9f: {  	_ =	swait.ge [sflag:s22], s20  }
0xa0: {  	s5 =	ssub.s32 $0x0, s20;
	[sflag:s22] =	ssyncset.done $0x0  }
0xa1: {  	[sflag:s22] =	ssyncadd.s32 s5;
	_ =	sdelay $0x1  }
0xa2: {  	s23 =	simm.s32 $0x1B8B  }
0xa3: {  	_ =	swait.ge [sflag:s23], $0x1  }
0xa4: {  	[sflag:s23] =	ssyncset.done $0x0  }
0xa5: {  	s25 =	simm.s32 $0x1B8E;
	s24 =	sld [smem:$0x3FFE];
	[sflag:s23] =	ssyncadd.s32 $0xFFFFFFFF  }
0xa6: {  	s26 =	simm.s32 $execute0_lowered;
	[smem:$0x3FD2] =	sst s25  }
0xa7: {  	s6 =	sshll.u32 s26, $0x1;
	_ =	strace $0x80000046;
	[dreg:$0x1] =	wrdreg $0xFFFFFFFF  }
0xa8: {  	s28 =	simm.s32 $_size_execute0_lowered;
	s4 =	sadd.s32 s4, s6;
	[dreg:$0x0] =	wrdreg $0x0  }
0xa9: {  	s6 =	sshll.u32 s28, $0x1;
	[dreg:$0x2] =	wrdreg s4  }
0xaa: {  	[dreg:$0x3] =	wrdreg s6  }
0xab: {  	[dreg:$0x4] =	wrdreg $0xC0  }
0xac: {  	_ =	task [dreg:s8], $0x5FFFF  }
0xad: {  	[dreg:$0x1] =	wrdreg $0xFFFFFFFF  }
0xae: {  	[dreg:$0x0] =	wrdreg $0x60  }
0xaf: {  	[dreg:$0x2] =	wrdreg s2  }
0xb0: {  	[dreg:$0x3] =	wrdreg s24  }
0xb1: {  	[dreg:$0x4] =	wrdreg s18  }
0xb2: {  	[dreg:$0x5] =	wrdreg $0x9  }
0xb3: {  	_ =	task.clear_ibuf [dreg:s8], $0x6FFFF;
	_ =	strace $0x90000046  }
0xb4: {  	s29 =	simm.s32 $0x9;
	_ =	strace $0x80000048  }
0xb5: {  	_ =	swait.ge [sflag:s29], $0x1  }
0xb6: {  	[sflag:s29] =	ssyncadd.s32 $0xFFFFFFFF  }
0xb7: {  	_ =	strace $0x90000048  }
0xb8: {  	_ =	sfence  }
0xb9: {  	s30 =	sld [smem:$0x0];
	_ =	sdelay $0x2  }
0xba: {  	s31 =	sshll.u32 s1, $0xD;
	s1 =	sshrl.u32 s1, $0x2  }
0xbb: {  	s3 =	sand.u32 $0x4000, s31;
	s1 =	sadd.s32 s1, s30  }
0xbc: {  	s0 =	sor.u32 s3, s0;
	s1 =	sshll.u32 s1, $0x11  }
0xbd: {  	s0 =	sor.u32 s1, s0  }
0xbe: {  	s0 =	sadd.s32 $0x8F2B, s0  }
0xbf: {  	[sflag:s0] =	ssyncadd.remote.s32 $0x1  }
0xc0: {  	_ =	sfence.sel $0xFFFF  }
0xc1: {  	[dreg:$0x0] =	wrdreg $0xFFFFFFFF;
	(pc) =	sbr.abs _section_cstart, $3  }
0xc2: {  	[dreg:$0x1] =	wrdreg $0xFFFFFFFF  }
0xc3: {  	_ =	task.clear_ibuf [dreg:s8], $0x2FFFF;
	_ =	strace $0x9FFFFFFF  }
0xc4: {  	(tm) =	ssettm $0x7FFFFFFF  }
0xc5: {  	_ =	shalt  }
tec
execute0_lowered:
.L_overlay_start_1:
0x0: {  	(tag) =	ssettag $0x1  }
0x1: {  	s1 =	rddreg [dreg:$0x0]  }
0x2: {  	s0 =	srdreg.scid;
	s2 =	rddreg [dreg:$0x1]  }
0x3: {  	s8 =	stileid.u32;
	s4 =	rddreg [dreg:$0x2]  }
0x4: {  	s13 =	simm.s32 $0x40;
	s14 =	simm.s32 $0x1900;
	s12 =	simm.s32 $0x3900  }
0x5: {  	s17 =	simm.s32 $0x5900;
	s15 =	simm.s32 $0x7900;
	s19 =	simm.s32 $0xB900  }
0x6: {  	s30 =	simm.s32 $0x11900;
	s16 =	simm.s32 $0x2;
	s18 =	simm.s32 $0x3  }
0x7: {  	s29 =	simm.s32 $0x8;
	s31 =	simm.s32 $0x9;
	s9 =	simm.s32 $0xF  }
0x8: {  	s0 =	sand.u32 $0x1, s0;
	s3 =	sshll.u32 s8, $0x1;
	s21 =	smul.u32 $0x32000, s8  }
0x9: {  	s5 =	sor.u32 s0, s3;
	s7 =	ssub.s32 $0x2, s0;
	s0 =	smul.u32 $0x19000, s0  }
0xa: {  	s11 =	simm.s32 $0x0;
	s28 =	simm.s32 $0xB900;
	s6 =	smul.u32 $0x1900, s5  }
0xb: {  	s8 =	simm.s32 $0xE;
	s3 =	simm.s32 $0x0;
	s5 =	smul.u32 $0xC8000, s5  }
0xc: {  	[smem:$0x7FF] =	sst s3;
	s20 =	sshrl.u32 s7, $0x1;
	s6 =	sshrl.u32 s6, $0x3  }
0xd: {  	_ =	strace $0x80000047;
	s5 =	sshrl.u32 s5, $0x3;
	s2 =	sadd.s32 s6, s2  }
0xe: {  	s6 =	ssub.s32 s7, s20;
	s22 =	sadd.s32 s4, s5;
	s4 =	sadd.s32 s21, s4  }
0xf: {  	s21 =	simm.s32 $0x9900;
	s20 =	simm.s32 $0x4;
	s2 =	sadd.s32 $0x400, s2  }
0x10: {  	s7 =	simm.s32 $0xD;
	s5 =	sadd.s32 $0x16800, s22;
	[dreg:$0x4] =	wrdreg s2  }
0x11: {  	s23 =	sadd.s32 $0x17000, s22;
	s24 =	sadd.s32 $0x17800, s22;
	[dreg:$0x5] =	wrdreg s5  }
0x12: {  	s25 =	sadd.s32 $0x18000, s22;
	s0 =	sadd.s32 s0, s4;
	[dreg:$0x6] =	wrdreg s23  }
0x13: {  	s26 =	smax.u32 s6, $0x1;
	s4 =	simm.s32 $0xA;
	[dreg:$0x7] =	wrdreg s24  }
0x14: {  	s6 =	simm.s32 $0xC;
	[dreg:$0x8] =	wrdreg s25;
	s2 =	sadd.s32 $0x18800, s22  }
0x15: {  	[dreg:$0xa] =	wrdreg s26;
	s0 =	sadd.s32 $0x2000, s0;
	s25 =	simm.s32 $0xD900  }
0x16: {  	s22 =	simm.s32 $0x5;
	s24 =	simm.s32 $0x6;
	s26 =	simm.s32 $0x7  }
0x17: {  	s5 =	simm.s32 $0xB;
	s23 =	simm.s32 $0x7900;
	[dreg:$0x9] =	wrdreg s2  }
0x18: {  	[dreg:$0xb] =	wrdreg s0;
	s2 =	simm.s32 $0xF900;
	s0 =	simm.s32 $0x1  }
.LBB2_1:
0x19: {  	[dreg:$0xc] =	wrdreg s11  }
0x1a: {  	s10 =	rddreg [dreg:$0x4];
	s11 =	simm.s32 $0x10  }
0x1b: {  	[tilespmem:s3], [sflag:$0x10] =	stream.linear.gather [hbm4b:s10+s3], $0x1900, $0x38;
	[tilespmem:$0x15900] =	vst v63  }
0x1c: {  	_ =	swait.ge [sflag:s11], $0x1900  }
0x1d: {  	[sflag:s11] =	ssyncset.done $0x0  }
0x1e: {  	[sflag:s11] =	ssyncadd.s32 $0xFFFFE700  }
0x1f: {  	[tilespmem:s14], [sflag:$0x1] =	stream.indirect.gather [hbm4b:s1+s13], $0x80, s3, s13, $0xb8;
	[tilespmem:$0x15900] =	vst v63  }
0x20: {  	_ = 	snop  }
0x21: {  	[tilespmem:s12], [sflag:$0x2] =	stream.indirect.gather [hbm4b:s1+s13], $0x80, s13, s13, $0xb8;
	[tilespmem:$0x15900] =	vst v63  }
0x22: {  	s11 =	simm.s32 $0x80  }
0x23: {  	[tilespmem:s17], [sflag:$0x3] =	stream.indirect.gather [hbm4b:s1+s13], $0x80, s11, s13, $0xb8;
	[tilespmem:$0x15900] =	vst v63  }
0x24: {  	s11 =	simm.s32 $0xC0  }
0x25: {  	[tilespmem:s15], [sflag:$0x4] =	stream.indirect.gather [hbm4b:s1+s13], $0x80, s11, s13, $0xb8;
	[tilespmem:$0x15900] =	vst v63  }
0x26: {  	s11 =	simm.s32 $0x100  }
0x27: {  	[tilespmem:s21], [sflag:$0x5] =	stream.indirect.gather [hbm4b:s1+s13], $0x80, s11, s13, $0xb8;
	[tilespmem:$0x15900] =	vst v63  }
0x28: {  	s11 =	simm.s32 $0x140  }
0x29: {  	[tilespmem:s19], [sflag:$0x6] =	stream.indirect.gather [hbm4b:s1+s13], $0x80, s11, s13, $0xb8;
	[tilespmem:$0x15900] =	vst v63  }
0x2a: {  	s11 =	simm.s32 $0x180  }
0x2b: {  	[tilespmem:s25], [sflag:$0x7] =	stream.indirect.gather [hbm4b:s1+s13], $0x80, s11, s13, $0xb8;
	[tilespmem:$0x15900] =	vst v63  }
0x2c: {  	s11 =	simm.s32 $0x1C0  }
0x2d: {  	[tilespmem:s2], [sflag:$0x8] =	stream.indirect.gather [hbm4b:s1+s13], $0x80, s11, s13, $0xb8;
	[tilespmem:$0x15900] =	vst v63  }
0x2e: {  	s11 =	simm.s32 $0x200  }
0x2f: {  	[tilespmem:s30], [sflag:$0x9] =	stream.indirect.gather [hbm4b:s1+s13], $0x80, s11, s13, $0xb8;
	[tilespmem:$0x15900] =	vst v63  }
0x30: {  	s10 =	simm.s32 $0x240;
	s11 =	simm.s32 $0x13900  }
0x31: {  	[tilespmem:s11], [sflag:$0xA] =	stream.indirect.gather [hbm4b:s1+s13], $0x80, s10, s13, $0xb8;
	[tilespmem:$0x15900] =	vst v63  }
0x32: {  	_ =	swait.ge [sflag:s0], $0x2000  }
0x33: {  	[sflag:s0] =	ssyncset.done $0x0  }
0x34: {  	[sflag:s0] =	ssyncadd.s32 $0xFFFFE000  }
0x35: {  	_ =	swait.ge [sflag:s16], $0x2000  }
0x36: {  	[sflag:s16] =	ssyncset.done $0x0;
	s11 =	rddreg [dreg:$0xb]  }
0x37: {  	[sflag:s16] =	ssyncadd.s32 $0xFFFFE000;
	s10 =	sadd.s32 $0xFFFFE000, s11  }
0x38: {  	[hbm4b:s10+s3] =	stream.linear.scatter [tilespmem:s14], [sflag:$0xB], $0x4000, $0x38;
	[tilespmem:$0x15900] =	vst v63  }
0x39: {  	_ =	swait.ge [sflag:s18], $0x2000  }
0x3a: {  	[sflag:s18] =	ssyncset.done $0x0  }
0x3b: {  	[sflag:s18] =	ssyncadd.s32 $0xFFFFE000  }
0x3c: {  	_ =	swait.ge [sflag:s20], $0x2000  }
0x3d: {  	[sflag:s20] =	ssyncset.done $0x0  }
0x3e: {  	s10 =	sadd.s32 $0xFFFFE800, s11;
	[sflag:s20] =	ssyncadd.s32 $0xFFFFE000  }
0x3f: {  	[hbm4b:s10+s3] =	stream.linear.scatter [tilespmem:s17], [sflag:$0xC], $0x4000, $0x38;
	[tilespmem:$0x15900] =	vst v63  }
0x40: {  	_ =	swait.ge [sflag:s22], $0x2000  }
0x41: {  	[sflag:s22] =	ssyncset.done $0x0  }
0x42: {  	[sflag:s22] =	ssyncadd.s32 $0xFFFFE000  }
0x43: {  	_ =	swait.ge [sflag:s24], $0x2000  }
0x44: {  	[sflag:s24] =	ssyncset.done $0x0  }
0x45: {  	s10 =	sadd.s32 $0xFFFFF000, s11;
	[sflag:s24] =	ssyncadd.s32 $0xFFFFE000  }
0x46: {  	[hbm4b:s10+s3] =	stream.linear.scatter [tilespmem:s21], [sflag:$0xD], $0x4000, $0x38;
	[tilespmem:$0x15900] =	vst v63  }
0x47: {  	_ =	swait.ge [sflag:s26], $0x2000  }
0x48: {  	[sflag:s26] =	ssyncset.done $0x0  }
0x49: {  	[sflag:s26] =	ssyncadd.s32 $0xFFFFE000  }
0x4a: {  	_ =	swait.ge [sflag:s29], $0x2000  }
0x4b: {  	[sflag:s29] =	ssyncset.done $0x0  }
0x4c: {  	s10 =	sadd.s32 $0xFFFFF800, s11;
	[sflag:s29] =	ssyncadd.s32 $0xFFFFE000  }
0x4d: {  	[hbm4b:s10+s3] =	stream.linear.scatter [tilespmem:s25], [sflag:$0xE], $0x4000, $0x38;
	[tilespmem:$0x15900] =	vst v63  }
0x4e: {  	_ =	swait.ge [sflag:s31], $0x2000  }
0x4f: {  	[sflag:s31] =	ssyncset.done $0x0  }
0x50: {  	[sflag:s31] =	ssyncadd.s32 $0xFFFFE000  }
0x51: {  	_ =	swait.ge [sflag:s4], $0x2000  }
0x52: {  	[sflag:s4] =	ssyncset.done $0x0  }
0x53: {  	[sflag:s4] =	ssyncadd.s32 $0xFFFFE000  }
0x54: {  	[hbm4b:s11+s3] =	stream.linear.scatter [tilespmem:s30], [sflag:$0xF], $0x4000, $0x38;
	[tilespmem:$0x15900] =	vst v63  }
0x55: {  	_ =	swait.ge [sflag:s5], $0x4000  }
0x56: {  	[sflag:s5] =	ssyncset.done $0x0  }
0x57: {  	s10 =	simm.s32 $0x280;
	[sflag:s5] =	ssyncadd.s32 $0xFFFFC000  }
0x58: {  	[tilespmem:s14], [sflag:$0x1] =	stream.indirect.gather [hbm4b:s1+s13], $0x80, s10, s13, $0xb8;
	[tilespmem:$0x15900] =	vst v63  }
0x59: {  	s10 =	simm.s32 $0x2C0  }
0x5a: {  	[tilespmem:s12], [sflag:$0x2] =	stream.indirect.gather [hbm4b:s1+s13], $0x80, s10, s13, $0xb8;
	[tilespmem:$0x15900] =	vst v63  }
0x5b: {  	_ =	swait.ge [sflag:s6], $0x4000  }
0x5c: {  	[sflag:s6] =	ssyncset.done $0x0  }
0x5d: {  	s12 =	simm.s32 $0x300;
	[sflag:s6] =	ssyncadd.s32 $0xFFFFC000  }
0x5e: {  	[tilespmem:s17], [sflag:$0x3] =	stream.indirect.gather [hbm4b:s1+s13], $0x80, s12, s13, $0xb8;
	[tilespmem:$0x15900] =	vst v63  }
0x5f: {  	s12 =	simm.s32 $0x340  }
0x60: {  	[tilespmem:s15], [sflag:$0x4] =	stream.indirect.gather [hbm4b:s1+s13], $0x80, s12, s13, $0xb8;
	[tilespmem:$0x15900] =	vst v63  }
0x61: {  	_ =	swait.ge [sflag:s7], $0x4000  }
0x62: {  	[sflag:s7] =	ssyncset.done $0x0  }
0x63: {  	s12 =	simm.s32 $0x380;
	[sflag:s7] =	ssyncadd.s32 $0xFFFFC000  }
0x64: {  	[tilespmem:s21], [sflag:$0x5] =	stream.indirect.gather [hbm4b:s1+s13], $0x80, s12, s13, $0xb8;
	[tilespmem:$0x15900] =	vst v63  }
0x65: {  	s15 =	simm.s32 $0x3C0  }
0x66: {  	[tilespmem:s19], [sflag:$0x6] =	stream.indirect.gather [hbm4b:s1+s13], $0x80, s15, s13, $0xb8;
	[tilespmem:$0x15900] =	vst v63  }
0x67: {  	_ =	swait.ge [sflag:s8], $0x4000  }
0x68: {  	[sflag:s8] =	ssyncset.done $0x0  }
0x69: {  	s12 =	simm.s32 $0x400;
	[sflag:s8] =	ssyncadd.s32 $0xFFFFC000  }
0x6a: {  	[tilespmem:s25], [sflag:$0x7] =	stream.indirect.gather [hbm4b:s1+s13], $0x80, s12, s13, $0xb8;
	[tilespmem:$0x15900] =	vst v63  }
0x6b: {  	s15 =	simm.s32 $0x440  }
0x6c: {  	[tilespmem:s2], [sflag:$0x8] =	stream.indirect.gather [hbm4b:s1+s13], $0x80, s15, s13, $0xb8;
	[tilespmem:$0x15900] =	vst v63  }
0x6d: {  	_ =	swait.ge [sflag:s9], $0x4000  }
0x6e: {  	s11 =	sadd.s32 $0x2800, s11;
	[sflag:s9] =	ssyncset.done $0x0  }
0x6f: {  	s10 =	simm.s32 $0x4C0;
	s19 =	simm.s32 $0x480;
	[sflag:s9] =	ssyncadd.s32 $0xFFFFC000  }
0x70: {  	[tilespmem:s30], [sflag:$0x9] =	stream.indirect.gather [hbm4b:s1+s13], $0x80, s19, s13, $0xb8;
	[tilespmem:$0x15900] =	vst v63  }
0x71: {  	s12 =	simm.s32 $0xA00;
	s2 =	simm.s32 $0xF900;
	s19 =	simm.s32 $0x3900  }
.LBB2_2:
0x72: {  	s15 =	simm.s32 $0x13900  }
0x73: {  	[tilespmem:s15], [sflag:$0xA] =	stream.indirect.gather [hbm4b:s1+s13], $0x80, s10, s13, $0xb8;
	[tilespmem:$0x15900] =	vst v63  }
0x74: {  	s10 =	smov.u32 s12  }
0x75: {  	p0 =	sne.s32 s12, $0x5000;
	s12 =	sadd.s32 $0xA00, s12;
	_ =	swait.ge [sflag:s0], $0x2000  }
0x76: {  	[sflag:s0] =	ssyncset.done $0x0  }
0x77: {  	[sflag:s0] =	ssyncadd.s32 $0xFFFFE000  }
0x78: {  	_ =	swait.ge [sflag:s16], $0x2000  }
0x79: {  	[sflag:s16] =	ssyncset.done $0x0  }
0x7a: {  	s15 =	sadd.s32 $0xFFFFE000, s11;
	[sflag:s16] =	ssyncadd.s32 $0xFFFFE000  }
0x7b: {  	[hbm4b:s15+s3] =	stream.linear.scatter [tilespmem:s14], [sflag:$0xB], $0x4000, $0x38;
	[tilespmem:$0x15900] =	vst v63  }
0x7c: {  	_ =	swait.ge [sflag:s18], $0x2000  }
0x7d: {  	[sflag:s18] =	ssyncset.done $0x0  }
0x7e: {  	[sflag:s18] =	ssyncadd.s32 $0xFFFFE000  }
0x7f: {  	_ =	swait.ge [sflag:s20], $0x2000  }
0x80: {  	[sflag:s20] =	ssyncset.done $0x0  }
0x81: {  	s15 =	sadd.s32 $0xFFFFE800, s11;
	[sflag:s20] =	ssyncadd.s32 $0xFFFFE000  }
0x82: {  	[hbm4b:s15+s3] =	stream.linear.scatter [tilespmem:s17], [sflag:$0xC], $0x4000, $0x38;
	[tilespmem:$0x15900] =	vst v63  }
0x83: {  	_ =	swait.ge [sflag:s22], $0x2000  }
0x84: {  	[sflag:s22] =	ssyncset.done $0x0  }
0x85: {  	[sflag:s22] =	ssyncadd.s32 $0xFFFFE000  }
0x86: {  	_ =	swait.ge [sflag:s24], $0x2000  }
0x87: {  	[sflag:s24] =	ssyncset.done $0x0  }
0x88: {  	s15 =	sadd.s32 $0xFFFFF000, s11;
	[sflag:s24] =	ssyncadd.s32 $0xFFFFE000  }
0x89: {  	[hbm4b:s15+s3] =	stream.linear.scatter [tilespmem:s21], [sflag:$0xD], $0x4000, $0x38;
	[tilespmem:$0x15900] =	vst v63  }
0x8a: {  	_ =	swait.ge [sflag:s26], $0x2000  }
0x8b: {  	[sflag:s26] =	ssyncset.done $0x0  }
0x8c: {  	[sflag:s26] =	ssyncadd.s32 $0xFFFFE000  }
0x8d: {  	_ =	swait.ge [sflag:s29], $0x2000  }
0x8e: {  	[sflag:s29] =	ssyncset.done $0x0  }
0x8f: {  	s15 =	sadd.s32 $0xFFFFF800, s11;
	[sflag:s29] =	ssyncadd.s32 $0xFFFFE000  }
0x90: {  	[hbm4b:s15+s3] =	stream.linear.scatter [tilespmem:s25], [sflag:$0xE], $0x4000, $0x38;
	[tilespmem:$0x15900] =	vst v63  }
0x91: {  	_ =	swait.ge [sflag:s31], $0x2000  }
0x92: {  	[sflag:s31] =	ssyncset.done $0x0  }
0x93: {  	[sflag:s31] =	ssyncadd.s32 $0xFFFFE000  }
0x94: {  	_ =	swait.ge [sflag:s4], $0x2000  }
0x95: {  	[sflag:s4] =	ssyncset.done $0x0  }
0x96: {  	[sflag:s4] =	ssyncadd.s32 $0xFFFFE000  }
0x97: {  	[hbm4b:s11+s3] =	stream.linear.scatter [tilespmem:s30], [sflag:$0xF], $0x4000, $0x38;
	[tilespmem:$0x15900] =	vst v63  }
0x98: {  	_ =	swait.ge [sflag:s5], $0x4000  }
0x99: {  	s10 =	sshra.s32 s10, $0x2;
	[sflag:s5] =	ssyncset.done $0x0  }
0x9a: {  	s15 =	sadd.s32 $0x280, s10;
	[sflag:s5] =	ssyncadd.s32 $0xFFFFC000  }
0x9b: {  	[tilespmem:s14], [sflag:$0x1] =	stream.indirect.gather [hbm4b:s1+s13], $0x80, s15, s13, $0xb8;
	[tilespmem:$0x15900] =	vst v63  }
0x9c: {  	s15 =	sadd.s32 $0x2C0, s10  }
0x9d: {  	[tilespmem:s19], [sflag:$0x2] =	stream.indirect.gather [hbm4b:s1+s13], $0x80, s15, s13, $0xb8;
	[tilespmem:$0x15900] =	vst v63  }
0x9e: {  	_ =	swait.ge [sflag:s6], $0x4000  }
0x9f: {  	[sflag:s6] =	ssyncset.done $0x0  }
0xa0: {  	s15 =	sadd.s32 $0x300, s10;
	[sflag:s6] =	ssyncadd.s32 $0xFFFFC000  }
0xa1: {  	[tilespmem:s17], [sflag:$0x3] =	stream.indirect.gather [hbm4b:s1+s13], $0x80, s15, s13, $0xb8;
	[tilespmem:$0x15900] =	vst v63  }
0xa2: {  	s15 =	sadd.s32 $0x340, s10  }
0xa3: {  	[tilespmem:s23], [sflag:$0x4] =	stream.indirect.gather [hbm4b:s1+s13], $0x80, s15, s13, $0xb8;
	[tilespmem:$0x15900] =	vst v63  }
0xa4: {  	_ =	swait.ge [sflag:s7], $0x4000  }
0xa5: {  	[sflag:s7] =	ssyncset.done $0x0  }
0xa6: {  	s15 =	sadd.s32 $0x380, s10;
	[sflag:s7] =	ssyncadd.s32 $0xFFFFC000  }
0xa7: {  	[tilespmem:s21], [sflag:$0x5] =	stream.indirect.gather [hbm4b:s1+s13], $0x80, s15, s13, $0xb8;
	[tilespmem:$0x15900] =	vst v63  }
0xa8: {  	s15 =	sadd.s32 $0x3C0, s10  }
0xa9: {  	[tilespmem:s28], [sflag:$0x6] =	stream.indirect.gather [hbm4b:s1+s13], $0x80, s15, s13, $0xb8;
	[tilespmem:$0x15900] =	vst v63  }
0xaa: {  	_ =	swait.ge [sflag:s8], $0x4000  }
0xab: {  	[sflag:s8] =	ssyncset.done $0x0  }
0xac: {  	s15 =	sadd.s32 $0x400, s10;
	[sflag:s8] =	ssyncadd.s32 $0xFFFFC000  }
0xad: {  	[tilespmem:s25], [sflag:$0x7] =	stream.indirect.gather [hbm4b:s1+s13], $0x80, s15, s13, $0xb8;
	[tilespmem:$0x15900] =	vst v63  }
0xae: {  	s15 =	sadd.s32 $0x440, s10  }
0xaf: {  	[tilespmem:s2], [sflag:$0x8] =	stream.indirect.gather [hbm4b:s1+s13], $0x80, s15, s13, $0xb8;
	[tilespmem:$0x15900] =	vst v63  }
.Ltmp0:
0xb0: {  	_ =	swait.ge [sflag:s9], $0x4000;
	(pc) =	sbr.rel @p0 .LBB2_2-.Ltmp0, $4  }
0xb1: {  	[sflag:s9] =	ssyncset.done $0x0  }
0xb2: {  	s15 =	sadd.s32 $0x480, s10;
	[sflag:s9] =	ssyncadd.s32 $0xFFFFC000  }
0xb3: {  	[tilespmem:s30], [sflag:$0x9] =	stream.indirect.gather [hbm4b:s1+s13], $0x80, s15, s13, $0xb8;
	[tilespmem:$0x15900] =	vst v63  }
0xb4: {  	s11 =	sadd.s32 $0x2800, s11;
	s10 =	sadd.s32 $0x4C0, s10  }
0xb5: {  	s2 =	simm.s32 $0x13900  }
0xb6: {  	[tilespmem:s2], [sflag:$0xA] =	stream.indirect.gather [hbm4b:s1+s13], $0x80, s10, s13, $0xb8;
	[tilespmem:$0x15900] =	vst v63  }
0xb7: {  	_ =	swait.ge [sflag:s0], $0x2000  }
0xb8: {  	[sflag:s0] =	ssyncset.done $0x0  }
0xb9: {  	[sflag:s0] =	ssyncadd.s32 $0xFFFFE000  }
0xba: {  	_ =	swait.ge [sflag:s16], $0x2000  }
0xbb: {  	[sflag:s16] =	ssyncset.done $0x0  }
0xbc: {  	s19 =	rddreg [dreg:$0x5];
	[sflag:s16] =	ssyncadd.s32 $0xFFFFE000  }
0xbd: {  	[hbm4b:s19+s3] =	stream.linear.scatter [tilespmem:s14], [sflag:$0xB], $0x4000, $0x38;
	[tilespmem:$0x15900] =	vst v63  }
0xbe: {  	_ =	swait.ge [sflag:s18], $0x2000  }
0xbf: {  	[sflag:s18] =	ssyncset.done $0x0  }
0xc0: {  	[sflag:s18] =	ssyncadd.s32 $0xFFFFE000  }
0xc1: {  	_ =	swait.ge [sflag:s20], $0x2000  }
0xc2: {  	[sflag:s20] =	ssyncset.done $0x0  }
0xc3: {  	s2 =	rddreg [dreg:$0x6];
	[sflag:s20] =	ssyncadd.s32 $0xFFFFE000  }
0xc4: {  	[hbm4b:s2+s3] =	stream.linear.scatter [tilespmem:s17], [sflag:$0xC], $0x4000, $0x38;
	[tilespmem:$0x15900] =	vst v63  }
0xc5: {  	_ =	swait.ge [sflag:s22], $0x2000  }
0xc6: {  	[sflag:s22] =	ssyncset.done $0x0  }
0xc7: {  	[sflag:s22] =	ssyncadd.s32 $0xFFFFE000  }
0xc8: {  	_ =	swait.ge [sflag:s24], $0x2000  }
0xc9: {  	[sflag:s24] =	ssyncset.done $0x0  }
0xca: {  	s11 =	rddreg [dreg:$0x7];
	[sflag:s24] =	ssyncadd.s32 $0xFFFFE000  }
0xcb: {  	[hbm4b:s11+s3] =	stream.linear.scatter [tilespmem:s21], [sflag:$0xD], $0x4000, $0x38;
	[tilespmem:$0x15900] =	vst v63  }
0xcc: {  	_ =	swait.ge [sflag:s26], $0x2000  }
0xcd: {  	[sflag:s26] =	ssyncset.done $0x0  }
0xce: {  	[sflag:s26] =	ssyncadd.s32 $0xFFFFE000  }
0xcf: {  	_ =	swait.ge [sflag:s29], $0x2000  }
0xd0: {  	[sflag:s29] =	ssyncset.done $0x0  }
0xd1: {  	s12 =	rddreg [dreg:$0x8];
	[sflag:s29] =	ssyncadd.s32 $0xFFFFE000  }
0xd2: {  	[hbm4b:s12+s3] =	stream.linear.scatter [tilespmem:s25], [sflag:$0xE], $0x4000, $0x38;
	[tilespmem:$0x15900] =	vst v63  }
0xd3: {  	_ =	swait.ge [sflag:s31], $0x2000  }
0xd4: {  	[sflag:s31] =	ssyncset.done $0x0  }
0xd5: {  	[sflag:s31] =	ssyncadd.s32 $0xFFFFE000  }
0xd6: {  	_ =	swait.ge [sflag:s4], $0x2000  }
0xd7: {  	[sflag:s4] =	ssyncset.done $0x0  }
0xd8: {  	s15 =	rddreg [dreg:$0x9];
	[sflag:s4] =	ssyncadd.s32 $0xFFFFE000  }
0xd9: {  	[hbm4b:s15+s3] =	stream.linear.scatter [tilespmem:s30], [sflag:$0xF], $0x4000, $0x38;
	[tilespmem:$0x15900] =	vst v63  }
0xda: {  	_ =	swait.ge [sflag:s5], $0x4000  }
0xdb: {  	[sflag:s5] =	ssyncset.done $0x0  }
0xdc: {  	[sflag:s5] =	ssyncadd.s32 $0xFFFFC000  }
0xdd: {  	_ =	swait.ge [sflag:s6], $0x4000  }
0xde: {  	[sflag:s6] =	ssyncset.done $0x0  }
0xdf: {  	[sflag:s6] =	ssyncadd.s32 $0xFFFFC000  }
0xe0: {  	_ =	swait.ge [sflag:s7], $0x4000  }
0xe1: {  	[sflag:s7] =	ssyncset.done $0x0  }
0xe2: {  	[sflag:s7] =	ssyncadd.s32 $0xFFFFC000  }
0xe3: {  	_ =	swait.ge [sflag:s8], $0x4000  }
0xe4: {  	[sflag:s8] =	ssyncset.done $0x0  }
0xe5: {  	[sflag:s8] =	ssyncadd.s32 $0xFFFFC000  }
0xe6: {  	_ =	swait.ge [sflag:s9], $0x4000  }
0xe7: {  	s11 =	rddreg [dreg:$0xc]  }
0xe8: {  	s19 =	rddreg [dreg:$0xa];
	s11 =	sadd.s32 $0x1, s11  }
0xe9: {  	p0 =	sne.s32 s11, s19  }
.Ltmp1:
0xea: {  	_ = 	snop;
	(pc) =	sbr.rel @p0 .LBB2_1-.Ltmp1, $3  }
0xeb: {  	_ =	sdelay $0x1  }
0xec: {  	s2 =	simm.s32 $0xF900;
	s12 =	simm.s32 $0x3900;
	[sflag:s9] =	ssyncset.done $0x0  }
0xed: {  	s15 =	simm.s32 $0x7900;
	[sflag:s9] =	ssyncadd.s32 $0xFFFFC000;
	s19 =	simm.s32 $0xB900  }
0xee: {  	_ =	sfence.sel $0x180000  }
0xef: {  	[bflag:$0x0] =	sbarrier.arrive $0xFFFF  }
0xf0: {  	_ =	strace $0x90000047  }
0xf1: {  	s0 =	stileid.u32;
	[bflag:$0x2] =	sbarrier.arrive $0xFFFF  }
0xf2: {  	p0 =	sne.s32 s0, $0x0;
	s0 =	rddreg [dreg:$0x3]  }
0xf3: {  	s0 =	sadd.s32 @!p0 $0x100000, s0  }
0xf4: {  	[sflag:s0] =	ssyncadd.tile.s32 @!p0 $0x1;
	_ =	shalt  }
.Lfunc_end2:
_tile_overlayer_lowered:
.L_overlay_start_2:
0xf5: {  	(tag) =	ssettag $0x2  }
0xf6: {  	s0 =	rddreg [dreg:$0x0];
	s2 =	stileid.u32  }
0xf7: {  	s1 =	rddreg [dreg:$0x1];
	p0 =	sne.s32 s2, $0x0  }
0xf8: {  	s3 =	rddreg [dreg:$0x2];
	[bflag:$0x3] =	sbarrier.arrive $0xFFFF;
	s2 =	simm.s32 @!p0 $0x1C11  }
0xf9: {  	[timem:s3], [sflag:s2] =	dma.local @!p0 [hbm:s0], s1  }
0xfa: {  	s0 =	simm.s32 @!p0 $0x11  }
0xfb: {  	_ =	swait.ge @!p0 [sflag:s0], s1  }
0xfc: {  	s1 =	ssub.s32 @!p0 $0x0, s1;
	[sflag:s0] =	ssyncset.done @!p0 $0x0  }
0xfd: {  	[sflag:s0] =	ssyncadd.s32 @!p0 s1  }
0xfe: {  	[bflag:$0x3] =	sbarrier.arrive $0xFFFF  }
0xff: {  	_ =	shalt  }

</sc_bundles>
